<compile_context>
chip_gen: v7x
topology: tpu7x:2x2x1
jax: 0.10.2.dev20260603
libtpu: 0.0.44.dev20260713+nightly
codegen_flags: <defaults>
</compile_context>

<pallas_src>
import functools

import jax
import jax.numpy as jnp
from jax import lax
from jax.experimental import pallas as pl
from jax.experimental.pallas import tpu as pltpu
from jax.experimental.pallas import tpu_sc as plsc

D = 256
K = 8192
NB = 16
HW = 1024
N = NB * HW
KB = 8
KC = K // KB
BETA = 0.25

SC_CORES = 2
SC_SUBCORES = 16
SC_WORKERS = SC_CORES * SC_SUBCORES
TOK_PER_W = N // SC_WORKERS
GCHUNK = 256


def _argmin_body(x_ref, x2_ref, wt_ref, w2_ref, idx_ref, loss_ref):
    b = pl.program_id(0)
    x = x_ref[...]
    x2 = x2_ref[...]
    lane = lax.broadcasted_iota(jnp.int32, (1, KC), 1)
    run_min = None
    run_idx = None
    for kb in range(KB):
        wt = wt_ref[:, kb * KC:(kb + 1) * KC]
        mm = lax.dot_general(x, wt, (((1,), (0,)), ((), ())),
                             preferred_element_type=jnp.float32)
        d = (x2 + w2_ref[kb:kb + 1, :]) - 2.0 * mm
        bmin = jnp.min(d, axis=1, keepdims=True)
        cand = jnp.where(d == bmin, lane, jnp.int32(2 ** 30))
        barg = jnp.min(cand, axis=1, keepdims=True) + kb * KC
        if kb == 0:
            run_min, run_idx = bmin, barg
        else:
            upd = bmin < run_min
            run_min = jnp.where(upd, bmin, run_min)
            run_idx = jnp.where(upd, barg, run_idx)
    idx_ref[...] = run_idx
    part = jnp.sum(run_min, axis=0, keepdims=True)
    prev = jnp.where(b == 0, jnp.zeros((1, 1), jnp.float32), loss_ref[...])
    tot = prev + part
    scale = (1.0 + BETA) / (N * D)
    loss_ref[...] = jnp.where(b == NB - 1, tot * scale, tot)


def _run_argmin(flat_x, x2, wt, w2r):
    return pl.pallas_call(
        _argmin_body,
        grid=(NB,),
        in_specs=[
            pl.BlockSpec((HW, D), lambda b: (b, 0)),
            pl.BlockSpec((HW, 1), lambda b: (b, 0)),
            pl.BlockSpec((D, K), lambda b: (0, 0)),
            pl.BlockSpec((KB, KC), lambda b: (0, 0)),
        ],
        out_specs=[
            pl.BlockSpec((HW, 1), lambda b: (b, 0)),
            pl.BlockSpec((1, 1), lambda b: (0, 0)),
        ],
        out_shape=[
            jax.ShapeDtypeStruct((N, 1), jnp.int32),
            jax.ShapeDtypeStruct((1, 1), jnp.float32),
        ],
    )(flat_x, x2, wt, w2r)


def _sc_gather_body(w_hbm, idx_hbm, zq_hbm, cnt_hbm,
                    idx_v, rows_v, ones_v, zero_v, cnt_sh, sem):
    cid = lax.axis_index("c")
    sid = lax.axis_index("s")
    wid = sid * SC_CORES + cid
    base = wid * TOK_PER_W

    def fill(i, carry):
        s = pl.ds(i * 16, 16)
        zero_v[s] = jnp.zeros((16,), jnp.float32)
        ones_v[s] = jnp.ones((16,), jnp.float32)
        return carry

    lax.fori_loop(0, TOK_PER_W // 16, fill, 0)
    pltpu.sync_copy(zero_v, cnt_sh.at[pl.ds(sid * TOK_PER_W, TOK_PER_W)])
    pltpu.sync_copy(idx_hbm.at[pl.ds(base, TOK_PER_W)], idx_v)
    plsc.subcore_barrier()
    pltpu.sync_copy(ones_v, cnt_sh.at[idx_v], add=True)
    for c in range(TOK_PER_W // GCHUNK):
        pltpu.async_copy(
            w_hbm.at[idx_v.at[pl.ds(c * GCHUNK, GCHUNK)]], rows_v, sem).wait()
        pltpu.sync_copy(rows_v, zq_hbm.at[pl.ds(base + c * GCHUNK, GCHUNK)])
    plsc.subcore_barrier()

    @pl.when(sid == 0)
    def _():
        pltpu.sync_copy(cnt_sh, cnt_hbm.at[cid])


def _run_gather(W, idx):
    mesh = plsc.VectorSubcoreMesh(core_axis_name="c", subcore_axis_name="s")
    f = pl.kernel(
        _sc_gather_body,
        out_type=[
            jax.ShapeDtypeStruct((N, D), jnp.float32),
            jax.ShapeDtypeStruct((SC_CORES, K), jnp.float32),
        ],
        mesh=mesh,
        scratch_types=[
            pltpu.VMEM((TOK_PER_W,), jnp.int32),
            pltpu.VMEM((GCHUNK, D), jnp.float32),
            pltpu.VMEM((TOK_PER_W,), jnp.float32),
            pltpu.VMEM((TOK_PER_W,), jnp.float32),
            pltpu.VMEM_SHARED((K,), jnp.float32),
            pltpu.SemaphoreType.DMA,
        ],
    )
    return f(W, idx)


def _perp_body(cnt_ref, out_ref):
    c = cnt_ref[...]
    tot = jnp.sum(c, axis=0, keepdims=True)
    p = tot * (1.0 / N)
    e = jnp.sum(p * jnp.log(p + 1e-10), axis=1, keepdims=True)
    out_ref[...] = jnp.exp(-e)


def _run_perp(cnt):
    return pl.pallas_call(
        _perp_body,
        out_shape=jax.ShapeDtypeStruct((1, 1), jnp.float32),
    )(cnt)


def kernel(z_encoded, W):
    z = jnp.transpose(z_encoded, (0, 2, 3, 1))
    flat_x = z.reshape(N, D)
    x2 = jnp.sum(flat_x ** 2, axis=1, keepdims=True)
    w2 = jnp.sum(W ** 2, axis=1)
    xb = flat_x.astype(jnp.bfloat16)
    wt = W.T.astype(jnp.bfloat16)
    idx2, loss = _run_argmin(xb, x2, wt, w2.reshape(KB, KC))
    zq_flat, cnt = _run_gather(W, idx2.reshape(N))
    perp = _run_perp(cnt)
    z_out = jnp.transpose(zq_flat.reshape(NB, 32, 32, D), (0, 3, 1, 2))
    return z_out, loss.reshape(()), perp.reshape(())

# --- scband reference (transcript-rebuilt; emitter-appended) ---
"""Pipeline reference for scband-vector-quantizer-50199577755663 (READ-ONLY COPY).

The authoritative reference and input builder live on the scoring server;
editing this copy changes nothing except your own understanding.
"""

import jax, jax.numpy as jnp
import numpy as np

EMBEDDING_DIM = 256
NUM_EMBEDDINGS = 8192
BETA = 0.25

def setup_inputs(seed: int = 0) -> dict:
    key = jax.random.key(seed)
    k1, k2 = jax.random.split(key)
    z_encoded = jax.random.normal(k1, (16, 256, 32, 32), dtype=jnp.float32)
    W = jax.random.normal(k2, (NUM_EMBEDDINGS, EMBEDDING_DIM), dtype=jnp.float32) * 0.02
    return {"z_encoded": z_encoded, "W": W}

def reference(z_encoded, W):
    # permute BCHW -> BHWC
    z = jnp.transpose(z_encoded, (0, 2, 3, 1))
    flat_x = z.reshape(-1, EMBEDDING_DIM)
    # squared L2 distances to codebook
    distances = (jnp.sum(flat_x ** 2, axis=1, keepdims=True)
                 + jnp.sum(W ** 2, axis=1)
                 - 2.0 * jnp.matmul(flat_x, W.T))
    encoding_indices = jnp.argmin(distances, axis=1)
    z_quantized = jnp.take(W, encoding_indices, axis=0).reshape(z.shape)
    z_q_loss = jnp.mean((z_quantized - jax.lax.stop_gradient(z)) ** 2)
    z_e_loss = jnp.mean((z - jax.lax.stop_gradient(z_quantized)) ** 2)
    loss = z_q_loss + BETA * z_e_loss
    # straight-through estimator
    z_st = z + jax.lax.stop_gradient(z_quantized - z)
    z_out = jnp.transpose(z_st, (0, 3, 1, 2))
    one_hot = jax.nn.one_hot(encoding_indices, NUM_EMBEDDINGS, dtype=jnp.float32)
    embedding_distribution = jnp.mean(one_hot, axis=0)
    perplexity = jnp.exp(-jnp.sum(embedding_distribution * jnp.log(embedding_distribution + 1e-10)))
    return (z_out, loss, perplexity)

if __name__ == "__main__":
    import jax
    _d = setup_inputs()
    print(jax.jit(kernel)(*tuple(_d.values())))

</pallas_src>

<mosaic_0001>
#map = affine_map<(d0, d1) -> (0, 0)>
#map1 = affine_map<(d0, d1) -> (0)>
module attributes {stable_mosaic.version = 14 : i64} {
  func.func @_sc_gather_body(%arg0: i32, %arg1: i32, %arg2: memref<8192x256xf32, #tpu.memory_space<hbm>>, %arg3: memref<16384xi32, #tpu.memory_space<hbm>>, %arg4: memref<16384x256xf32, #tpu.memory_space<hbm>>, %arg5: memref<2x8192xf32, #tpu.memory_space<hbm>>, %arg6: memref<512xi32, #tpu.memory_space<vmem>>, %arg7: memref<256x256xf32, #tpu.memory_space<vmem>>, %arg8: memref<512xf32, #tpu.memory_space<vmem>>, %arg9: memref<512xf32, #tpu.memory_space<vmem>>, %arg10: memref<8192xf32, #tpu.memory_space<vmem_shared>>, %arg11: memref<!tpu.dma_semaphore, #tpu.memory_space<semaphore_mem>>) attributes {dimension_semantics = [#tpu.dimension_semantics<core_parallel>, #tpu.dimension_semantics<subcore_parallel>], iteration_bounds = array<i64: 2, 16>, scalar_prefetch = 0 : i64, scratch_operands = 6 : i64, tpu.core_type = #tpu.core_type<sc_vector_subcore>, window_params = [{transform_indices = #map}, {transform_indices = #map1}, {transform_indices = #map}, {transform_indices = #map}]} {
    %mul3A = arith.constant 2 : i32
    %mul3A_0 = arith.muli %arg1, %mul3A : i32
    %add3A = arith.addi %mul3A_0, %arg0 : i32
    %mul3A_1 = arith.constant 512 : i32
    %mul3A_2 = arith.muli %add3A, %mul3A_1 : i32
    %scan3A = arith.constant 0 : i32
    %scan3A_3 = arith.constant 0 : i32
    %scan3A_4 = arith.constant 32 : i32
    %scan3A_5 = arith.addi %scan3A_3, %scan3A_4 : i32
    %scan3A_6 = arith.constant 1 : i32
    scf.for %scan3A_35 = %scan3A_3 to %scan3A_5 step %scan3A_6  : i32 {
      %mul3A_36 = arith.constant 16 : i32
      %mul3A_37 = arith.muli %scan3A_35, %mul3A_36 : i32
      %broadcast_in_dim3A = arith.constant 0.000000e+00 : f32
      %broadcast_in_dim3A_38 = vector.broadcast %broadcast_in_dim3A : f32 to vector<16xf32>
      %swap3A = arith.index_cast %mul3A_37 : i32 to index
      %swap3A_39 = tpu.vector_load %arg9[%swap3A] {strides = array<i32>} : memref<512xf32, #tpu.memory_space<vmem>>, vector<16xf32>,
      %swap3A_40 = vector.shape_cast %swap3A_39 : vector<16xf32> to vector<16xf32>
      %swap3A_41 = vector.shape_cast %broadcast_in_dim3A_38 : vector<16xf32> to vector<16xf32>
      tpu.vector_store %arg9[%swap3A], %swap3A_41 {strides = array<i32>} : memref<512xf32, #tpu.memory_space<vmem>>, vector<16xf32>,
      %broadcast_in_dim3A_42 = arith.constant 1.000000e+00 : f32
      %broadcast_in_dim3A_43 = vector.broadcast %broadcast_in_dim3A_42 : f32 to vector<16xf32>
      %swap3A_44 = arith.index_cast %mul3A_37 : i32 to index
      %swap3A_45 = tpu.vector_load %arg8[%swap3A_44] {strides = array<i32>} : memref<512xf32, #tpu.memory_space<vmem>>, vector<16xf32>,
      %swap3A_46 = vector.shape_cast %swap3A_45 : vector<16xf32> to vector<16xf32>
      %swap3A_47 = vector.shape_cast %broadcast_in_dim3A_43 : vector<16xf32> to vector<16xf32>
      tpu.vector_store %arg8[%swap3A_44], %swap3A_47 {strides = array<i32>} : memref<512xf32, #tpu.memory_space<vmem>>, vector<16xf32>,
    }
    %scan3A_7 = arith.constant 32 : i32
    %mul3A_8 = arith.constant 512 : i32
    %mul3A_9 = arith.muli %arg1, %mul3A_8 : i32
    "tpu.region"() ({
      %run_scoped3A = tpu.sem_alloc : memref<!tpu.dma_semaphore, #tpu.memory_space<semaphore_mem>>
      %dma_start3A_35 = tpu.memref_slice %arg10[%mul3A_9] : memref<8192xf32, #tpu.memory_space<vmem_shared>> -> memref<512xf32, #tpu.memory_space<vmem_shared>>
      %dma_start3A_36 = tpu.memref_slice %arg10[%mul3A_9] : memref<8192xf32, #tpu.memory_space<vmem_shared>> -> memref<512xf32, #tpu.memory_space<vmem_shared>>
      tpu.enqueue_dma source(%arg9 : memref<512xf32, #tpu.memory_space<vmem>>) target(%dma_start3A_36 : memref<512xf32, #tpu.memory_space<vmem_shared>>) target_semaphore(%run_scoped3A : memref<!tpu.dma_semaphore, #tpu.memory_space<semaphore_mem>>)
      %dma_wait3A_37 = tpu.memref_slice %arg10[%mul3A_9] : memref<8192xf32, #tpu.memory_space<vmem_shared>> -> memref<512xf32, #tpu.memory_space<vmem_shared>>
      %dma_wait3A_38 = tpu.memref_slice %arg10[%mul3A_9] : memref<8192xf32, #tpu.memory_space<vmem_shared>> -> memref<512xf32, #tpu.memory_space<vmem_shared>>
      tpu.wait_dma2 semaphore(%run_scoped3A : memref<!tpu.dma_semaphore, #tpu.memory_space<semaphore_mem>>) src(%arg9 : memref<512xf32, #tpu.memory_space<vmem>>) dst(%dma_wait3A_38 : memref<512xf32, #tpu.memory_space<vmem_shared>>)
      tpu.yield
    }) : () -> ()
    "tpu.region"() ({
      %run_scoped3A = tpu.sem_alloc : memref<!tpu.dma_semaphore, #tpu.memory_space<semaphore_mem>>
      %dma_start3A_35 = tpu.memref_slice %arg3[%mul3A_2] : memref<16384xi32, #tpu.memory_space<hbm>> -> memref<512xi32, #tpu.memory_space<hbm>>
      %dma_start3A_36 = tpu.memref_slice %arg3[%mul3A_2] : memref<16384xi32, #tpu.memory_space<hbm>> -> memref<512xi32, #tpu.memory_space<hbm>>
      tpu.enqueue_dma source(%dma_start3A_36 : memref<512xi32, #tpu.memory_space<hbm>>) target(%arg6 : memref<512xi32, #tpu.memory_space<vmem>>) target_semaphore(%run_scoped3A : memref<!tpu.dma_semaphore, #tpu.memory_space<semaphore_mem>>)
      %dma_wait3A_37 = tpu.memref_slice %arg3[%mul3A_2] : memref<16384xi32, #tpu.memory_space<hbm>> -> memref<512xi32, #tpu.memory_space<hbm>>
      %dma_wait3A_38 = tpu.memref_slice %arg3[%mul3A_2] : memref<16384xi32, #tpu.memory_space<hbm>> -> memref<512xi32, #tpu.memory_space<hbm>>
      tpu.wait_dma2 semaphore(%run_scoped3A : memref<!tpu.dma_semaphore, #tpu.memory_space<semaphore_mem>>) src(%dma_wait3A_38 : memref<512xi32, #tpu.memory_space<hbm>>) dst(%arg6 : memref<512xi32, #tpu.memory_space<vmem>>)
      tpu.yield
    }) : () -> ()
    %barrier3A = arith.constant 0 : index
    tpu.barrier barrier_id(%barrier3A)
    "tpu.region"() ({
      %run_scoped3A = tpu.sem_alloc : memref<!tpu.dma_semaphore, #tpu.memory_space<semaphore_mem>>
      %dma_start3A_35 = arith.constant 0 : i32
      %dma_start3A_36 = tpu.memref_slice %arg10[%dma_start3A_35] : memref<8192xf32, #tpu.memory_space<vmem_shared>> -> memref<8192xf32, #tpu.memory_space<vmem_shared>>
      tpu.enqueue_indirect_dma source(%arg8 : memref<512xf32, #tpu.memory_space<vmem>>) target(%dma_start3A_36 : memref<8192xf32, #tpu.memory_space<vmem_shared>>) offsets(%arg6 : memref<512xi32, #tpu.memory_space<vmem>>) semaphore(%run_scoped3A : memref<!tpu.dma_semaphore, #tpu.memory_space<semaphore_mem>>) {add = true}
      %dma_wait3A_37 = arith.constant 0 : i32
      %dma_wait3A_38 = tpu.memref_slice %arg10[%dma_wait3A_37] : memref<8192xf32, #tpu.memory_space<vmem_shared>> -> memref<8192xf32, #tpu.memory_space<vmem_shared>>
      tpu.wait_indirect_dma semaphore(%run_scoped3A : memref<!tpu.dma_semaphore, #tpu.memory_space<semaphore_mem>>) src(%arg8 : memref<512xf32, #tpu.memory_space<vmem>>) dst(%dma_wait3A_38 : memref<8192xf32, #tpu.memory_space<vmem_shared>>)
      tpu.yield
    }) : () -> ()
    %dma_start3A = arith.constant 0 : i32
    %dma_start3A_10 = tpu.memref_slice %arg6[%dma_start3A] : memref<512xi32, #tpu.memory_space<vmem>> -> memref<256xi32, #tpu.memory_space<vmem>>
    %dma_start3A_11 = arith.constant 0 : i32
    %dma_start3A_12 = arith.constant 0 : i32
    %dma_start3A_13 = tpu.memref_slice %arg2[%dma_start3A_11, %dma_start3A_12] : memref<8192x256xf32, #tpu.memory_space<hbm>> -> memref<8192x256xf32, #tpu.memory_space<hbm>>
    tpu.enqueue_indirect_dma source(%dma_start3A_13 : memref<8192x256xf32, #tpu.memory_space<hbm>>) target(%arg7 : memref<256x256xf32, #tpu.memory_space<vmem>>) offsets(%dma_start3A_10 : memref<256xi32, #tpu.memory_space<vmem>>) semaphore(%arg11 : memref<!tpu.dma_semaphore, #tpu.memory_space<semaphore_mem>>)
    %dma_wait3A = arith.constant 0 : i32
    %dma_wait3A_14 = tpu.memref_slice %arg6[%dma_wait3A] : memref<512xi32, #tpu.memory_space<vmem>> -> memref<256xi32, #tpu.memory_space<vmem>>
    %dma_wait3A_15 = arith.constant 0 : i32
    %dma_wait3A_16 = arith.constant 0 : i32
    %dma_wait3A_17 = tpu.memref_slice %arg2[%dma_wait3A_15, %dma_wait3A_16] : memref<8192x256xf32, #tpu.memory_space<hbm>> -> memref<8192x256xf32, #tpu.memory_space<hbm>>
    tpu.wait_indirect_dma semaphore(%arg11 : memref<!tpu.dma_semaphore, #tpu.memory_space<semaphore_mem>>) src(%dma_wait3A_17 : memref<8192x256xf32, #tpu.memory_space<hbm>>) dst(%arg7 : memref<256x256xf32, #tpu.memory_space<vmem>>)
    %add3A_18 = arith.constant 0 : i32
    %add3A_19 = arith.addi %mul3A_2, %add3A_18 : i32
    "tpu.region"() ({
      %run_scoped3A = tpu.sem_alloc : memref<!tpu.dma_semaphore, #tpu.memory_space<semaphore_mem>>
      %dma_start3A_35 = arith.constant 0 : i32
      %dma_start3A_36 = tpu.memref_slice %arg4[%add3A_19, %dma_start3A_35] : memref<16384x256xf32, #tpu.memory_space<hbm>> -> memref<256x256xf32, #tpu.memory_space<hbm>>
      %dma_start3A_37 = arith.constant 0 : i32
      %dma_start3A_38 = tpu.memref_slice %arg4[%add3A_19, %dma_start3A_37] : memref<16384x256xf32, #tpu.memory_space<hbm>> -> memref<256x256xf32, #tpu.memory_space<hbm>>
      tpu.enqueue_dma source(%arg7 : memref<256x256xf32, #tpu.memory_space<vmem>>) target(%dma_start3A_38 : memref<256x256xf32, #tpu.memory_space<hbm>>) target_semaphore(%run_scoped3A : memref<!tpu.dma_semaphore, #tpu.memory_space<semaphore_mem>>)
      %dma_wait3A_39 = arith.constant 0 : i32
      %dma_wait3A_40 = tpu.memref_slice %arg4[%add3A_19, %dma_wait3A_39] : memref<16384x256xf32, #tpu.memory_space<hbm>> -> memref<256x256xf32, #tpu.memory_space<hbm>>
      %dma_wait3A_41 = arith.constant 0 : i32
      %dma_wait3A_42 = tpu.memref_slice %arg4[%add3A_19, %dma_wait3A_41] : memref<16384x256xf32, #tpu.memory_space<hbm>> -> memref<256x256xf32, #tpu.memory_space<hbm>>
      tpu.wait_dma2 semaphore(%run_scoped3A : memref<!tpu.dma_semaphore, #tpu.memory_space<semaphore_mem>>) src(%arg7 : memref<256x256xf32, #tpu.memory_space<vmem>>) dst(%dma_wait3A_42 : memref<256x256xf32, #tpu.memory_space<hbm>>)
      tpu.yield
    }) : () -> ()
    %dma_start3A_20 = arith.constant 256 : i32
    %dma_start3A_21 = tpu.memref_slice %arg6[%dma_start3A_20] : memref<512xi32, #tpu.memory_space<vmem>> -> memref<256xi32, #tpu.memory_space<vmem>>
    %dma_start3A_22 = arith.constant 0 : i32
    %dma_start3A_23 = arith.constant 0 : i32
    %dma_start3A_24 = tpu.memref_slice %arg2[%dma_start3A_22, %dma_start3A_23] : memref<8192x256xf32, #tpu.memory_space<hbm>> -> memref<8192x256xf32, #tpu.memory_space<hbm>>
    tpu.enqueue_indirect_dma source(%dma_start3A_24 : memref<8192x256xf32, #tpu.memory_space<hbm>>) target(%arg7 : memref<256x256xf32, #tpu.memory_space<vmem>>) offsets(%dma_start3A_21 : memref<256xi32, #tpu.memory_space<vmem>>) semaphore(%arg11 : memref<!tpu.dma_semaphore, #tpu.memory_space<semaphore_mem>>)
    %dma_wait3A_25 = arith.constant 256 : i32
    %dma_wait3A_26 = tpu.memref_slice %arg6[%dma_wait3A_25] : memref<512xi32, #tpu.memory_space<vmem>> -> memref<256xi32, #tpu.memory_space<vmem>>
    %dma_wait3A_27 = arith.constant 0 : i32
    %dma_wait3A_28 = arith.constant 0 : i32
    %dma_wait3A_29 = tpu.memref_slice %arg2[%dma_wait3A_27, %dma_wait3A_28] : memref<8192x256xf32, #tpu.memory_space<hbm>> -> memref<8192x256xf32, #tpu.memory_space<hbm>>
    tpu.wait_indirect_dma semaphore(%arg11 : memref<!tpu.dma_semaphore, #tpu.memory_space<semaphore_mem>>) src(%dma_wait3A_29 : memref<8192x256xf32, #tpu.memory_space<hbm>>) dst(%arg7 : memref<256x256xf32, #tpu.memory_space<vmem>>)
    %add3A_30 = arith.constant 256 : i32
    %add3A_31 = arith.addi %mul3A_2, %add3A_30 : i32
    "tpu.region"() ({
      %run_scoped3A = tpu.sem_alloc : memref<!tpu.dma_semaphore, #tpu.memory_space<semaphore_mem>>
      %dma_start3A_35 = arith.constant 0 : i32
      %dma_start3A_36 = tpu.memref_slice %arg4[%add3A_31, %dma_start3A_35] : memref<16384x256xf32, #tpu.memory_space<hbm>> -> memref<256x256xf32, #tpu.memory_space<hbm>>
      %dma_start3A_37 = arith.constant 0 : i32
      %dma_start3A_38 = tpu.memref_slice %arg4[%add3A_31, %dma_start3A_37] : memref<16384x256xf32, #tpu.memory_space<hbm>> -> memref<256x256xf32, #tpu.memory_space<hbm>>
      tpu.enqueue_dma source(%arg7 : memref<256x256xf32, #tpu.memory_space<vmem>>) target(%dma_start3A_38 : memref<256x256xf32, #tpu.memory_space<hbm>>) target_semaphore(%run_scoped3A : memref<!tpu.dma_semaphore, #tpu.memory_space<semaphore_mem>>)
      %dma_wait3A_39 = arith.constant 0 : i32
      %dma_wait3A_40 = tpu.memref_slice %arg4[%add3A_31, %dma_wait3A_39] : memref<16384x256xf32, #tpu.memory_space<hbm>> -> memref<256x256xf32, #tpu.memory_space<hbm>>
      %dma_wait3A_41 = arith.constant 0 : i32
      %dma_wait3A_42 = tpu.memref_slice %arg4[%add3A_31, %dma_wait3A_41] : memref<16384x256xf32, #tpu.memory_space<hbm>> -> memref<256x256xf32, #tpu.memory_space<hbm>>
      tpu.wait_dma2 semaphore(%run_scoped3A : memref<!tpu.dma_semaphore, #tpu.memory_space<semaphore_mem>>) src(%arg7 : memref<256x256xf32, #tpu.memory_space<vmem>>) dst(%dma_wait3A_42 : memref<256x256xf32, #tpu.memory_space<hbm>>)
      tpu.yield
    }) : () -> ()
    %barrier3A_32 = arith.constant 0 : index
    tpu.barrier barrier_id(%barrier3A_32)
    %eq3A = arith.constant 0 : i32
    %eq3A_33 = arith.cmpi eq, %arg1, %eq3A : i32
    %convert_element_type3A = arith.extui %eq3A_33 : i1 to i32
    %cond3A = arith.constant 0 : i32
    %cond3A_34 = arith.cmpi ne, %convert_element_type3A, %cond3A : i32
    scf.if %cond3A_34 {
      "tpu.region"() ({
        %run_scoped3A = tpu.sem_alloc : memref<!tpu.dma_semaphore, #tpu.memory_space<semaphore_mem>>
        %dma_start3A_35 = arith.constant 0 : i32
        %dma_start3A_36 = tpu.memref_slice %arg5[%arg0, %dma_start3A_35] : memref<2x8192xf32, #tpu.memory_space<hbm>> -> memref<1x8192xf32, #tpu.memory_space<hbm>>
        %dma_start3A_37 = tpu.memref_squeeze %dma_start3A_36 : memref<1x8192xf32, #tpu.memory_space<hbm>> -> memref<8192xf32, #tpu.memory_space<hbm>>
        tpu.enqueue_dma source(%arg10 : memref<8192xf32, #tpu.memory_space<vmem_shared>>) target(%dma_start3A_37 : memref<8192xf32, #tpu.memory_space<hbm>>) target_semaphore(%run_scoped3A : memref<!tpu.dma_semaphore, #tpu.memory_space<semaphore_mem>>)
        %dma_wait3A_38 = arith.constant 0 : i32
        %dma_wait3A_39 = tpu.memref_slice %arg5[%arg0, %dma_wait3A_38] : memref<2x8192xf32, #tpu.memory_space<hbm>> -> memref<1x8192xf32, #tpu.memory_space<hbm>>
        %dma_wait3A_40 = tpu.memref_squeeze %dma_wait3A_39 : memref<1x8192xf32, #tpu.memory_space<hbm>> -> memref<8192xf32, #tpu.memory_space<hbm>>
        tpu.wait_dma2 semaphore(%run_scoped3A : memref<!tpu.dma_semaphore, #tpu.memory_space<semaphore_mem>>) src(%arg10 : memref<8192xf32, #tpu.memory_space<vmem_shared>>) dst(%dma_wait3A_40 : memref<8192xf32, #tpu.memory_space<hbm>>)
        tpu.yield
      }) : () -> ()
    } else {
    }
    return
  }
}

module attributes {stable_mosaic.version = 14 : i64} {
  func.func @_argmin_body(%arg0: i32, %arg1: memref<1024x256xbf16, #tpu.memory_space<vmem>>, %arg2: memref<1024x1xf32, #tpu.memory_space<vmem>>, %arg3: memref<256x8192xbf16, #tpu.memory_space<vmem>>, %arg4: memref<8x1024xf32, #tpu.memory_space<vmem>>, %arg5: memref<1024x1xi32, #tpu.memory_space<vmem>>, %arg6: memref<1x1xf32, #tpu.memory_space<vmem>>) attributes {dimension_semantics = [#tpu.dimension_semantics<arbitrary>], iteration_bounds = array<i64: 16>, scalar_prefetch = 0 : i64, scratch_operands = 0 : i64, tpu.core_type = #tpu.core_type<tc>, window_params = [{transform_indices = @transform_0, window_bounds = array<i64: 1024, 256>}, {transform_indices = @transform_1, window_bounds = array<i64: 1024, 1>}, {pipeline_mode = #tpu.pipeline_mode<synchronous>, transform_indices = @transform_2, window_bounds = array<i64: 256, 8192>}, {pipeline_mode = #tpu.pipeline_mode<synchronous>, transform_indices = @transform_3, window_bounds = array<i64: 8, 1024>}, {transform_indices = @transform_4, window_bounds = array<i64: 1024, 1>}, {pipeline_mode = #tpu.pipeline_mode<synchronous>, transform_indices = @transform_5, window_bounds = array<i64: 1, 1>}]} {
    %get3A = arith.constant 0 : index
    %get3A_0 = arith.constant 0 : index
    %get3A_1 = vector.load %arg1[%get3A, %get3A_0] : memref<1024x256xbf16, #tpu.memory_space<vmem>>, vector<1024x256xbf16>
    %get3A_2 = arith.constant 0 : index
    %get3A_3 = arith.constant 0 : index
    %get3A_4 = vector.load %arg2[%get3A_2, %get3A_3] : memref<1024x1xf32, #tpu.memory_space<vmem>>, vector<1024x1xf32>
    %iota3A = tpu.iota {dimensions = array<i32: 1>} : vector<1x1024xi32>
    %get3A_5 = arith.constant 0 : index
    %get3A_6 = arith.constant 0 : index
    %get3A_7 = vector.load %arg3[%get3A_5, %get3A_6] : memref<256x8192xbf16, #tpu.memory_space<vmem>>, vector<256x1024xbf16>
    %dot_general3A = arith.constant dense<0.000000e+00> : vector<1024x1024xf32>
    %dot_general3A_8 = tpu.matmul %get3A_1, %get3A_7, %dot_general3A {dimension_numbers = #tpu.dot_dimension_numbers<[1], [0], [0], [1], [0, 0, 1, 1], [], []>, transpose_lhs_hint = false} : vector<1024x256xbf16>, vector<256x1024xbf16>, vector<1024x1024xf32> -> vector<1024x1024xf32>
    %get3A_9 = arith.constant 0 : index
    %get3A_10 = arith.constant 0 : index
    %get3A_11 = vector.load %arg4[%get3A_9, %get3A_10] : memref<8x1024xf32, #tpu.memory_space<vmem>>, vector<1x1024xf32>
    %add3A = vector.broadcast %get3A_4 : vector<1024x1xf32> to vector<1024x1024xf32>
    %add3A_12 = vector.broadcast %get3A_11 : vector<1x1024xf32> to vector<1024x1024xf32>
    %add3A_13 = arith.addf %add3A, %add3A_12 : vector<1024x1024xf32>
    %mul3A = arith.constant 2.000000e+00 : f32
    %mul3A_14 = vector.broadcast %mul3A : f32 to vector<1024x1024xf32>
    %mul3A_15 = arith.mulf %mul3A_14, %dot_general3A_8 : vector<1024x1024xf32>
    %sub3A = arith.subf %add3A_13, %mul3A_15 : vector<1024x1024xf32>
    %reduce_min3A = arith.constant dense<0x7F800000> : vector<1024xf32>
    %reduce_min3A_16 = vector.multi_reduction <minimumf>, %sub3A, %reduce_min3A [1] : vector<1024x1024xf32> to vector<1024xf32>
    %broadcast_in_dim3A = vector.shape_cast %reduce_min3A_16 : vector<1024xf32> to vector<1024x1xf32>
    %eq3A = vector.broadcast %broadcast_in_dim3A : vector<1024x1xf32> to vector<1024x1024xf32>
    %eq3A_17 = arith.cmpf oeq, %sub3A, %eq3A : vector<1024x1024xf32>
    %jit3A = arith.constant 1073741824 : i32
    %broadcast_in_dim3A_18 = vector.shape_cast %iota3A : vector<1x1024xi32> to vector<1x1024xi32>
    %broadcast_in_dim3A_19 = vector.broadcast %broadcast_in_dim3A_18 : vector<1x1024xi32> to vector<1024x1024xi32>
    %broadcast_in_dim3A_20 = vector.broadcast %jit3A : i32 to vector<1024x1024xi32>
    %select_n3A = arith.select %eq3A_17, %broadcast_in_dim3A_19, %broadcast_in_dim3A_20 : vector<1024x1024xi1>, vector<1024x1024xi32>
    %reduce_min3A_21 = arith.constant dense<2147483647> : vector<1024xi32>
    %reduce_min3A_22 = vector.multi_reduction <minsi>, %select_n3A, %reduce_min3A_21 [1] : vector<1024x1024xi32> to vector<1024xi32>
    %broadcast_in_dim3A_23 = vector.shape_cast %reduce_min3A_22 : vector<1024xi32> to vector<1024x1xi32>
    %add3A_24 = arith.constant 0 : i32
    %add3A_25 = vector.broadcast %add3A_24 : i32 to vector<1024x1xi32>
    %add3A_26 = arith.addi %broadcast_in_dim3A_23, %add3A_25 : vector<1024x1xi32>
    %get3A_27 = arith.constant 0 : index
    %get3A_28 = arith.constant 1024 : index
    %get3A_29 = vector.load %arg3[%get3A_27, %get3A_28] : memref<256x8192xbf16, #tpu.memory_space<vmem>>, vector<256x1024xbf16>
    %dot_general3A_30 = arith.constant dense<0.000000e+00> : vector<1024x1024xf32>
    %dot_general3A_31 = tpu.matmul %get3A_1, %get3A_29, %dot_general3A_30 {dimension_numbers = #tpu.dot_dimension_numbers<[1], [0], [0], [1], [0, 0, 1, 1], [], []>, transpose_lhs_hint = false} : vector<1024x256xbf16>, vector<256x1024xbf16>, vector<1024x1024xf32> -> vector<1024x1024xf32>
    %get3A_32 = arith.constant 1 : index
    %get3A_33 = arith.constant 0 : index
    %get3A_34 = vector.load %arg4[%get3A_32, %get3A_33] : memref<8x1024xf32, #tpu.memory_space<vmem>>, vector<1x1024xf32>
    %add3A_35 = vector.broadcast %get3A_4 : vector<1024x1xf32> to vector<1024x1024xf32>
    %add3A_36 = vector.broadcast %get3A_34 : vector<1x1024xf32> to vector<1024x1024xf32>
    %add3A_37 = arith.addf %add3A_35, %add3A_36 : vector<1024x1024xf32>
    %mul3A_38 = arith.constant 2.000000e+00 : f32
    %mul3A_39 = vector.broadcast %mul3A_38 : f32 to vector<1024x1024xf32>
    %mul3A_40 = arith.mulf %mul3A_39, %dot_general3A_31 : vector<1024x1024xf32>
    %sub3A_41 = arith.subf %add3A_37, %mul3A_40 : vector<1024x1024xf32>
    %reduce_min3A_42 = arith.constant dense<0x7F800000> : vector<1024xf32>
    %reduce_min3A_43 = vector.multi_reduction <minimumf>, %sub3A_41, %reduce_min3A_42 [1] : vector<1024x1024xf32> to vector<1024xf32>
    %broadcast_in_dim3A_44 = vector.shape_cast %reduce_min3A_43 : vector<1024xf32> to vector<1024x1xf32>
    %eq3A_45 = vector.broadcast %broadcast_in_dim3A_44 : vector<1024x1xf32> to vector<1024x1024xf32>
    %eq3A_46 = arith.cmpf oeq, %sub3A_41, %eq3A_45 : vector<1024x1024xf32>
    %jit3A_47 = arith.constant 1073741824 : i32
    %broadcast_in_dim3A_48 = vector.shape_cast %iota3A : vector<1x1024xi32> to vector<1x1024xi32>
    %broadcast_in_dim3A_49 = vector.broadcast %broadcast_in_dim3A_48 : vector<1x1024xi32> to vector<1024x1024xi32>
    %broadcast_in_dim3A_50 = vector.broadcast %jit3A_47 : i32 to vector<1024x1024xi32>
    %select_n3A_51 = arith.select %eq3A_46, %broadcast_in_dim3A_49, %broadcast_in_dim3A_50 : vector<1024x1024xi1>, vector<1024x1024xi32>
    %reduce_min3A_52 = arith.constant dense<2147483647> : vector<1024xi32>
    %reduce_min3A_53 = vector.multi_reduction <minsi>, %select_n3A_51, %reduce_min3A_52 [1] : vector<1024x1024xi32> to vector<1024xi32>
    %broadcast_in_dim3A_54 = vector.shape_cast %reduce_min3A_53 : vector<1024xi32> to vector<1024x1xi32>
    %add3A_55 = arith.constant 1024 : i32
    %add3A_56 = vector.broadcast %add3A_55 : i32 to vector<1024x1xi32>
    %add3A_57 = arith.addi %broadcast_in_dim3A_54, %add3A_56 : vector<1024x1xi32>
    %lt3A = arith.cmpf olt, %broadcast_in_dim3A_44, %broadcast_in_dim3A : vector<1024x1xf32>
    %select_n3A_58 = arith.select %lt3A, %broadcast_in_dim3A_44, %broadcast_in_dim3A : vector<1024x1xi1>, vector<1024x1xf32>
    %select_n3A_59 = arith.select %lt3A, %add3A_57, %add3A_26 : vector<1024x1xi1>, vector<1024x1xi32>
    %get3A_60 = arith.constant 0 : index
    %get3A_61 = arith.constant 2048 : index
    %get3A_62 = vector.load %arg3[%get3A_60, %get3A_61] : memref<256x8192xbf16, #tpu.memory_space<vmem>>, vector<256x1024xbf16>
    %dot_general3A_63 = arith.constant dense<0.000000e+00> : vector<1024x1024xf32>
    %dot_general3A_64 = tpu.matmul %get3A_1, %get3A_62, %dot_general3A_63 {dimension_numbers = #tpu.dot_dimension_numbers<[1], [0], [0], [1], [0, 0, 1, 1], [], []>, transpose_lhs_hint = false} : vector<1024x256xbf16>, vector<256x1024xbf16>, vector<1024x1024xf32> -> vector<1024x1024xf32>
    %get3A_65 = arith.constant 2 : index
    %get3A_66 = arith.constant 0 : index
    %get3A_67 = vector.load %arg4[%get3A_65, %get3A_66] : memref<8x1024xf32, #tpu.memory_space<vmem>>, vector<1x1024xf32>
    %add3A_68 = vector.broadcast %get3A_4 : vector<1024x1xf32> to vector<1024x1024xf32>
    %add3A_69 = vector.broadcast %get3A_67 : vector<1x1024xf32> to vector<1024x1024xf32>
    %add3A_70 = arith.addf %add3A_68, %add3A_69 : vector<1024x1024xf32>
    %mul3A_71 = arith.constant 2.000000e+00 : f32
    %mul3A_72 = vector.broadcast %mul3A_71 : f32 to vector<1024x1024xf32>
    %mul3A_73 = arith.mulf %mul3A_72, %dot_general3A_64 : vector<1024x1024xf32>
    %sub3A_74 = arith.subf %add3A_70, %mul3A_73 : vector<1024x1024xf32>
    %reduce_min3A_75 = arith.constant dense<0x7F800000> : vector<1024xf32>
    %reduce_min3A_76 = vector.multi_reduction <minimumf>, %sub3A_74, %reduce_min3A_75 [1] : vector<1024x1024xf32> to vector<1024xf32>
    %broadcast_in_dim3A_77 = vector.shape_cast %reduce_min3A_76 : vector<1024xf32> to vector<1024x1xf32>
    %eq3A_78 = vector.broadcast %broadcast_in_dim3A_77 : vector<1024x1xf32> to vector<1024x1024xf32>
    %eq3A_79 = arith.cmpf oeq, %sub3A_74, %eq3A_78 : vector<1024x1024xf32>
    %jit3A_80 = arith.constant 1073741824 : i32
    %broadcast_in_dim3A_81 = vector.shape_cast %iota3A : vector<1x1024xi32> to vector<1x1024xi32>
    %broadcast_in_dim3A_82 = vector.broadcast %broadcast_in_dim3A_81 : vector<1x1024xi32> to vector<1024x1024xi32>
    %broadcast_in_dim3A_83 = vector.broadcast %jit3A_80 : i32 to vector<1024x1024xi32>
    %select_n3A_84 = arith.select %eq3A_79, %broadcast_in_dim3A_82, %broadcast_in_dim3A_83 : vector<1024x1024xi1>, vector<1024x1024xi32>
    %reduce_min3A_85 = arith.constant dense<2147483647> : vector<1024xi32>
    %reduce_min3A_86 = vector.multi_reduction <minsi>, %select_n3A_84, %reduce_min3A_85 [1] : vector<1024x1024xi32> to vector<1024xi32>
    %broadcast_in_dim3A_87 = vector.shape_cast %reduce_min3A_86 : vector<1024xi32> to vector<1024x1xi32>
    %add3A_88 = arith.constant 2048 : i32
    %add3A_89 = vector.broadcast %add3A_88 : i32 to vector<1024x1xi32>
    %add3A_90 = arith.addi %broadcast_in_dim3A_87, %add3A_89 : vector<1024x1xi32>
    %lt3A_91 = arith.cmpf olt, %broadcast_in_dim3A_77, %select_n3A_58 : vector<1024x1xf32>
    %select_n3A_92 = arith.select %lt3A_91, %broadcast_in_dim3A_77, %select_n3A_58 : vector<1024x1xi1>, vector<1024x1xf32>
    %select_n3A_93 = arith.select %lt3A_91, %add3A_90, %select_n3A_59 : vector<1024x1xi1>, vector<1024x1xi32>
    %get3A_94 = arith.constant 0 : index
    %get3A_95 = arith.constant 3072 : index
    %get3A_96 = vector.load %arg3[%get3A_94, %get3A_95] : memref<256x8192xbf16, #tpu.memory_space<vmem>>, vector<256x1024xbf16>
    %dot_general3A_97 = arith.constant dense<0.000000e+00> : vector<1024x1024xf32>
    %dot_general3A_98 = tpu.matmul %get3A_1, %get3A_96, %dot_general3A_97 {dimension_numbers = #tpu.dot_dimension_numbers<[1], [0], [0], [1], [0, 0, 1, 1], [], []>, transpose_lhs_hint = false} : vector<1024x256xbf16>, vector<256x1024xbf16>, vector<1024x1024xf32> -> vector<1024x1024xf32>
    %get3A_99 = arith.constant 3 : index
    %get3A_100 = arith.constant 0 : index
    %get3A_101 = vector.load %arg4[%get3A_99, %get3A_100] : memref<8x1024xf32, #tpu.memory_space<vmem>>, vector<1x1024xf32>
    %add3A_102 = vector.broadcast %get3A_4 : vector<1024x1xf32> to vector<1024x1024xf32>
    %add3A_103 = vector.broadcast %get3A_101 : vector<1x1024xf32> to vector<1024x1024xf32>
    %add3A_104 = arith.addf %add3A_102, %add3A_103 : vector<1024x1024xf32>
    %mul3A_105 = arith.constant 2.000000e+00 : f32
    %mul3A_106 = vector.broadcast %mul3A_105 : f32 to vector<1024x1024xf32>
    %mul3A_107 = arith.mulf %mul3A_106, %dot_general3A_98 : vector<1024x1024xf32>
    %sub3A_108 = arith.subf %add3A_104, %mul3A_107 : vector<1024x1024xf32>
    %reduce_min3A_109 = arith.constant dense<0x7F800000> : vector<1024xf32>
    %reduce_min3A_110 = vector.multi_reduction <minimumf>, %sub3A_108, %reduce_min3A_109 [1] : vector<1024x1024xf32> to vector<1024xf32>
    %broadcast_in_dim3A_111 = vector.shape_cast %reduce_min3A_110 : vector<1024xf32> to vector<1024x1xf32>
    %eq3A_112 = vector.broadcast %broadcast_in_dim3A_111 : vector<1024x1xf32> to vector<1024x1024xf32>
    %eq3A_113 = arith.cmpf oeq, %sub3A_108, %eq3A_112 : vector<1024x1024xf32>
    %jit3A_114 = arith.constant 1073741824 : i32
    %broadcast_in_dim3A_115 = vector.shape_cast %iota3A : vector<1x1024xi32> to vector<1x1024xi32>
    %broadcast_in_dim3A_116 = vector.broadcast %broadcast_in_dim3A_115 : vector<1x1024xi32> to vector<1024x1024xi32>
    %broadcast_in_dim3A_117 = vector.broadcast %jit3A_114 : i32 to vector<1024x1024xi32>
    %select_n3A_118 = arith.select %eq3A_113, %broadcast_in_dim3A_116, %broadcast_in_dim3A_117 : vector<1024x1024xi1>, vector<1024x1024xi32>
    %reduce_min3A_119 = arith.constant dense<2147483647> : vector<1024xi32>
    %reduce_min3A_120 = vector.multi_reduction <minsi>, %select_n3A_118, %reduce_min3A_119 [1] : vector<1024x1024xi32> to vector<1024xi32>
    %broadcast_in_dim3A_121 = vector.shape_cast %reduce_min3A_120 : vector<1024xi32> to vector<1024x1xi32>
    %add3A_122 = arith.constant 3072 : i32
    %add3A_123 = vector.broadcast %add3A_122 : i32 to vector<1024x1xi32>
    %add3A_124 = arith.addi %broadcast_in_dim3A_121, %add3A_123 : vector<1024x1xi32>
    %lt3A_125 = arith.cmpf olt, %broadcast_in_dim3A_111, %select_n3A_92 : vector<1024x1xf32>
    %select_n3A_126 = arith.select %lt3A_125, %broadcast_in_dim3A_111, %select_n3A_92 : vector<1024x1xi1>, vector<1024x1xf32>
    %select_n3A_127 = arith.select %lt3A_125, %add3A_124, %select_n3A_93 : vector<1024x1xi1>, vector<1024x1xi32>
    %get3A_128 = arith.constant 0 : index
    %get3A_129 = arith.constant 4096 : index
    %get3A_130 = vector.load %arg3[%get3A_128, %get3A_129] : memref<256x8192xbf16, #tpu.memory_space<vmem>>, vector<256x1024xbf16>
    %dot_general3A_131 = arith.constant dense<0.000000e+00> : vector<1024x1024xf32>
    %dot_general3A_132 = tpu.matmul %get3A_1, %get3A_130, %dot_general3A_131 {dimension_numbers = #tpu.dot_dimension_numbers<[1], [0], [0], [1], [0, 0, 1, 1], [], []>, transpose_lhs_hint = false} : vector<1024x256xbf16>, vector<256x1024xbf16>, vector<1024x1024xf32> -> vector<1024x1024xf32>
    %get3A_133 = arith.constant 4 : index
    %get3A_134 = arith.constant 0 : index
    %get3A_135 = vector.load %arg4[%get3A_133, %get3A_134] : memref<8x1024xf32, #tpu.memory_space<vmem>>, vector<1x1024xf32>
    %add3A_136 = vector.broadcast %get3A_4 : vector<1024x1xf32> to vector<1024x1024xf32>
    %add3A_137 = vector.broadcast %get3A_135 : vector<1x1024xf32> to vector<1024x1024xf32>
    %add3A_138 = arith.addf %add3A_136, %add3A_137 : vector<1024x1024xf32>
    %mul3A_139 = arith.constant 2.000000e+00 : f32
    %mul3A_140 = vector.broadcast %mul3A_139 : f32 to vector<1024x1024xf32>
    %mul3A_141 = arith.mulf %mul3A_140, %dot_general3A_132 : vector<1024x1024xf32>
    %sub3A_142 = arith.subf %add3A_138, %mul3A_141 : vector<1024x1024xf32>
    %reduce_min3A_143 = arith.constant dense<0x7F800000> : vector<1024xf32>
    %reduce_min3A_144 = vector.multi_reduction <minimumf>, %sub3A_142, %reduce_min3A_143 [1] : vector<1024x1024xf32> to vector<1024xf32>
    %broadcast_in_dim3A_145 = vector.shape_cast %reduce_min3A_144 : vector<1024xf32> to vector<1024x1xf32>
    %eq3A_146 = vector.broadcast %broadcast_in_dim3A_145 : vector<1024x1xf32> to vector<1024x1024xf32>
    %eq3A_147 = arith.cmpf oeq, %sub3A_142, %eq3A_146 : vector<1024x1024xf32>
    %jit3A_148 = arith.constant 1073741824 : i32
    %broadcast_in_dim3A_149 = vector.shape_cast %iota3A : vector<1x1024xi32> to vector<1x1024xi32>
    %broadcast_in_dim3A_150 = vector.broadcast %broadcast_in_dim3A_149 : vector<1x1024xi32> to vector<1024x1024xi32>
    %broadcast_in_dim3A_151 = vector.broadcast %jit3A_148 : i32 to vector<1024x1024xi32>
    %select_n3A_152 = arith.select %eq3A_147, %broadcast_in_dim3A_150, %broadcast_in_dim3A_151 : vector<1024x1024xi1>, vector<1024x1024xi32>
    %reduce_min3A_153 = arith.constant dense<2147483647> : vector<1024xi32>
    %reduce_min3A_154 = vector.multi_reduction <minsi>, %select_n3A_152, %reduce_min3A_153 [1] : vector<1024x1024xi32> to vector<1024xi32>
    %broadcast_in_dim3A_155 = vector.shape_cast %reduce_min3A_154 : vector<1024xi32> to vector<1024x1xi32>
    %add3A_156 = arith.constant 4096 : i32
    %add3A_157 = vector.broadcast %add3A_156 : i32 to vector<1024x1xi32>
    %add3A_158 = arith.addi %broadcast_in_dim3A_155, %add3A_157 : vector<1024x1xi32>
    %lt3A_159 = arith.cmpf olt, %broadcast_in_dim3A_145, %select_n3A_126 : vector<1024x1xf32>
    %select_n3A_160 = arith.select %lt3A_159, %broadcast_in_dim3A_145, %select_n3A_126 : vector<1024x1xi1>, vector<1024x1xf32>
    %select_n3A_161 = arith.select %lt3A_159, %add3A_158, %select_n3A_127 : vector<1024x1xi1>, vector<1024x1xi32>
    %get3A_162 = arith.constant 0 : index
    %get3A_163 = arith.constant 5120 : index
    %get3A_164 = vector.load %arg3[%get3A_162, %get3A_163] : memref<256x8192xbf16, #tpu.memory_space<vmem>>, vector<256x1024xbf16>
    %dot_general3A_165 = arith.constant dense<0.000000e+00> : vector<1024x1024xf32>
    %dot_general3A_166 = tpu.matmul %get3A_1, %get3A_164, %dot_general3A_165 {dimension_numbers = #tpu.dot_dimension_numbers<[1], [0], [0], [1], [0, 0, 1, 1], [], []>, transpose_lhs_hint = false} : vector<1024x256xbf16>, vector<256x1024xbf16>, vector<1024x1024xf32> -> vector<1024x1024xf32>
    %get3A_167 = arith.constant 5 : index
    %get3A_168 = arith.constant 0 : index
    %get3A_169 = vector.load %arg4[%get3A_167, %get3A_168] : memref<8x1024xf32, #tpu.memory_space<vmem>>, vector<1x1024xf32>
    %add3A_170 = vector.broadcast %get3A_4 : vector<1024x1xf32> to vector<1024x1024xf32>
    %add3A_171 = vector.broadcast %get3A_169 : vector<1x1024xf32> to vector<1024x1024xf32>
    %add3A_172 = arith.addf %add3A_170, %add3A_171 : vector<1024x1024xf32>
    %mul3A_173 = arith.constant 2.000000e+00 : f32
    %mul3A_174 = vector.broadcast %mul3A_173 : f32 to vector<1024x1024xf32>
    %mul3A_175 = arith.mulf %mul3A_174, %dot_general3A_166 : vector<1024x1024xf32>
    %sub3A_176 = arith.subf %add3A_172, %mul3A_175 : vector<1024x1024xf32>
    %reduce_min3A_177 = arith.constant dense<0x7F800000> : vector<1024xf32>
    %reduce_min3A_178 = vector.multi_reduction <minimumf>, %sub3A_176, %reduce_min3A_177 [1] : vector<1024x1024xf32> to vector<1024xf32>
    %broadcast_in_dim3A_179 = vector.shape_cast %reduce_min3A_178 : vector<1024xf32> to vector<1024x1xf32>
    %eq3A_180 = vector.broadcast %broadcast_in_dim3A_179 : vector<1024x1xf32> to vector<1024x1024xf32>
    %eq3A_181 = arith.cmpf oeq, %sub3A_176, %eq3A_180 : vector<1024x1024xf32>
    %jit3A_182 = arith.constant 1073741824 : i32
    %broadcast_in_dim3A_183 = vector.shape_cast %iota3A : vector<1x1024xi32> to vector<1x1024xi32>
    %broadcast_in_dim3A_184 = vector.broadcast %broadcast_in_dim3A_183 : vector<1x1024xi32> to vector<1024x1024xi32>
    %broadcast_in_dim3A_185 = vector.broadcast %jit3A_182 : i32 to vector<1024x1024xi32>
    %select_n3A_186 = arith.select %eq3A_181, %broadcast_in_dim3A_184, %broadcast_in_dim3A_185 : vector<1024x1024xi1>, vector<1024x1024xi32>
    %reduce_min3A_187 = arith.constant dense<2147483647> : vector<1024xi32>
    %reduce_min3A_188 = vector.multi_reduction <minsi>, %select_n3A_186, %reduce_min3A_187 [1] : vector<1024x1024xi32> to vector<1024xi32>
    %broadcast_in_dim3A_189 = vector.shape_cast %reduce_min3A_188 : vector<1024xi32> to vector<1024x1xi32>
    %add3A_190 = arith.constant 5120 : i32
    %add3A_191 = vector.broadcast %add3A_190 : i32 to vector<1024x1xi32>
    %add3A_192 = arith.addi %broadcast_in_dim3A_189, %add3A_191 : vector<1024x1xi32>
    %lt3A_193 = arith.cmpf olt, %broadcast_in_dim3A_179, %select_n3A_160 : vector<1024x1xf32>
    %select_n3A_194 = arith.select %lt3A_193, %broadcast_in_dim3A_179, %select_n3A_160 : vector<1024x1xi1>, vector<1024x1xf32>
    %select_n3A_195 = arith.select %lt3A_193, %add3A_192, %select_n3A_161 : vector<1024x1xi1>, vector<1024x1xi32>
    %get3A_196 = arith.constant 0 : index
    %get3A_197 = arith.constant 6144 : index
    %get3A_198 = vector.load %arg3[%get3A_196, %get3A_197] : memref<256x8192xbf16, #tpu.memory_space<vmem>>, vector<256x1024xbf16>
    %dot_general3A_199 = arith.constant dense<0.000000e+00> : vector<1024x1024xf32>
    %dot_general3A_200 = tpu.matmul %get3A_1, %get3A_198, %dot_general3A_199 {dimension_numbers = #tpu.dot_dimension_numbers<[1], [0], [0], [1], [0, 0, 1, 1], [], []>, transpose_lhs_hint = false} : vector<1024x256xbf16>, vector<256x1024xbf16>, vector<1024x1024xf32> -> vector<1024x1024xf32>
    %get3A_201 = arith.constant 6 : index
    %get3A_202 = arith.constant 0 : index
    %get3A_203 = vector.load %arg4[%get3A_201, %get3A_202] : memref<8x1024xf32, #tpu.memory_space<vmem>>, vector<1x1024xf32>
    %add3A_204 = vector.broadcast %get3A_4 : vector<1024x1xf32> to vector<1024x1024xf32>
    %add3A_205 = vector.broadcast %get3A_203 : vector<1x1024xf32> to vector<1024x1024xf32>
    %add3A_206 = arith.addf %add3A_204, %add3A_205 : vector<1024x1024xf32>
    %mul3A_207 = arith.constant 2.000000e+00 : f32
    %mul3A_208 = vector.broadcast %mul3A_207 : f32 to vector<1024x1024xf32>
    %mul3A_209 = arith.mulf %mul3A_208, %dot_general3A_200 : vector<1024x1024xf32>
    %sub3A_210 = arith.subf %add3A_206, %mul3A_209 : vector<1024x1024xf32>
    %reduce_min3A_211 = arith.constant dense<0x7F800000> : vector<1024xf32>
    %reduce_min3A_212 = vector.multi_reduction <minimumf>, %sub3A_210, %reduce_min3A_211 [1] : vector<1024x1024xf32> to vector<1024xf32>
    %broadcast_in_dim3A_213 = vector.shape_cast %reduce_min3A_212 : vector<1024xf32> to vector<1024x1xf32>
    %eq3A_214 = vector.broadcast %broadcast_in_dim3A_213 : vector<1024x1xf32> to vector<1024x1024xf32>
    %eq3A_215 = arith.cmpf oeq, %sub3A_210, %eq3A_214 : vector<1024x1024xf32>
    %jit3A_216 = arith.constant 1073741824 : i32
    %broadcast_in_dim3A_217 = vector.shape_cast %iota3A : vector<1x1024xi32> to vector<1x1024xi32>
    %broadcast_in_dim3A_218 = vector.broadcast %broadcast_in_dim3A_217 : vector<1x1024xi32> to vector<1024x1024xi32>
    %broadcast_in_dim3A_219 = vector.broadcast %jit3A_216 : i32 to vector<1024x1024xi32>
    %select_n3A_220 = arith.select %eq3A_215, %broadcast_in_dim3A_218, %broadcast_in_dim3A_219 : vector<1024x1024xi1>, vector<1024x1024xi32>
    %reduce_min3A_221 = arith.constant dense<2147483647> : vector<1024xi32>
    %reduce_min3A_222 = vector.multi_reduction <minsi>, %select_n3A_220, %reduce_min3A_221 [1] : vector<1024x1024xi32> to vector<1024xi32>
    %broadcast_in_dim3A_223 = vector.shape_cast %reduce_min3A_222 : vector<1024xi32> to vector<1024x1xi32>
    %add3A_224 = arith.constant 6144 : i32
    %add3A_225 = vector.broadcast %add3A_224 : i32 to vector<1024x1xi32>
    %add3A_226 = arith.addi %broadcast_in_dim3A_223, %add3A_225 : vector<1024x1xi32>
    %lt3A_227 = arith.cmpf olt, %broadcast_in_dim3A_213, %select_n3A_194 : vector<1024x1xf32>
    %select_n3A_228 = arith.select %lt3A_227, %broadcast_in_dim3A_213, %select_n3A_194 : vector<1024x1xi1>, vector<1024x1xf32>
    %select_n3A_229 = arith.select %lt3A_227, %add3A_226, %select_n3A_195 : vector<1024x1xi1>, vector<1024x1xi32>
    %get3A_230 = arith.constant 0 : index
    %get3A_231 = arith.constant 7168 : index
    %get3A_232 = vector.load %arg3[%get3A_230, %get3A_231] : memref<256x8192xbf16, #tpu.memory_space<vmem>>, vector<256x1024xbf16>
    %dot_general3A_233 = arith.constant dense<0.000000e+00> : vector<1024x1024xf32>
    %dot_general3A_234 = tpu.matmul %get3A_1, %get3A_232, %dot_general3A_233 {dimension_numbers = #tpu.dot_dimension_numbers<[1], [0], [0], [1], [0, 0, 1, 1], [], []>, transpose_lhs_hint = false} : vector<1024x256xbf16>, vector<256x1024xbf16>, vector<1024x1024xf32> -> vector<1024x1024xf32>
    %get3A_235 = arith.constant 7 : index
    %get3A_236 = arith.constant 0 : index
    %get3A_237 = vector.load %arg4[%get3A_235, %get3A_236] : memref<8x1024xf32, #tpu.memory_space<vmem>>, vector<1x1024xf32>
    %add3A_238 = vector.broadcast %get3A_4 : vector<1024x1xf32> to vector<1024x1024xf32>
    %add3A_239 = vector.broadcast %get3A_237 : vector<1x1024xf32> to vector<1024x1024xf32>
    %add3A_240 = arith.addf %add3A_238, %add3A_239 : vector<1024x1024xf32>
    %mul3A_241 = arith.constant 2.000000e+00 : f32
    %mul3A_242 = vector.broadcast %mul3A_241 : f32 to vector<1024x1024xf32>
    %mul3A_243 = arith.mulf %mul3A_242, %dot_general3A_234 : vector<1024x1024xf32>
    %sub3A_244 = arith.subf %add3A_240, %mul3A_243 : vector<1024x1024xf32>
    %reduce_min3A_245 = arith.constant dense<0x7F800000> : vector<1024xf32>
    %reduce_min3A_246 = vector.multi_reduction <minimumf>, %sub3A_244, %reduce_min3A_245 [1] : vector<1024x1024xf32> to vector<1024xf32>
    %broadcast_in_dim3A_247 = vector.shape_cast %reduce_min3A_246 : vector<1024xf32> to vector<1024x1xf32>
    %eq3A_248 = vector.broadcast %broadcast_in_dim3A_247 : vector<1024x1xf32> to vector<1024x1024xf32>
    %eq3A_249 = arith.cmpf oeq, %sub3A_244, %eq3A_248 : vector<1024x1024xf32>
    %jit3A_250 = arith.constant 1073741824 : i32
    %broadcast_in_dim3A_251 = vector.shape_cast %iota3A : vector<1x1024xi32> to vector<1x1024xi32>
    %broadcast_in_dim3A_252 = vector.broadcast %broadcast_in_dim3A_251 : vector<1x1024xi32> to vector<1024x1024xi32>
    %broadcast_in_dim3A_253 = vector.broadcast %jit3A_250 : i32 to vector<1024x1024xi32>
    %select_n3A_254 = arith.select %eq3A_249, %broadcast_in_dim3A_252, %broadcast_in_dim3A_253 : vector<1024x1024xi1>, vector<1024x1024xi32>
    %reduce_min3A_255 = arith.constant dense<2147483647> : vector<1024xi32>
    %reduce_min3A_256 = vector.multi_reduction <minsi>, %select_n3A_254, %reduce_min3A_255 [1] : vector<1024x1024xi32> to vector<1024xi32>
    %broadcast_in_dim3A_257 = vector.shape_cast %reduce_min3A_256 : vector<1024xi32> to vector<1024x1xi32>
    %add3A_258 = arith.constant 7168 : i32
    %add3A_259 = vector.broadcast %add3A_258 : i32 to vector<1024x1xi32>
    %add3A_260 = arith.addi %broadcast_in_dim3A_257, %add3A_259 : vector<1024x1xi32>
    %lt3A_261 = arith.cmpf olt, %broadcast_in_dim3A_247, %select_n3A_228 : vector<1024x1xf32>
    %select_n3A_262 = arith.select %lt3A_261, %broadcast_in_dim3A_247, %select_n3A_228 : vector<1024x1xi1>, vector<1024x1xf32>
    %select_n3A_263 = arith.select %lt3A_261, %add3A_260, %select_n3A_229 : vector<1024x1xi1>, vector<1024x1xi32>
    %swap3A = arith.constant 0 : index
    %swap3A_264 = arith.constant 0 : index
    %swap3A_265 = vector.load %arg5[%swap3A, %swap3A_264] : memref<1024x1xi32, #tpu.memory_space<vmem>>, vector<1024x1xi32>
    tpu.vector_store %arg5[%swap3A, %swap3A_264], %select_n3A_263 {strides = array<i32>} : memref<1024x1xi32, #tpu.memory_space<vmem>>, vector<1024x1xi32>,
    %reduce_sum3A = arith.constant dense<0.000000e+00> : vector<1xf32>
    %reduce_sum3A_266 = vector.multi_reduction <add>, %select_n3A_262, %reduce_sum3A [0] : vector<1024x1xf32> to vector<1xf32>
    %broadcast_in_dim3A_267 = vector.shape_cast %reduce_sum3A_266 : vector<1xf32> to vector<1x1xf32>
    %eq3A_268 = arith.constant 0 : i32
    %eq3A_269 = arith.cmpi eq, %arg0, %eq3A_268 : i32
    %broadcast_in_dim3A_270 = arith.constant 0.000000e+00 : f32
    %broadcast_in_dim3A_271 = vector.broadcast %broadcast_in_dim3A_270 : f32 to vector<1x1xf32>
    %get3A_272 = arith.constant 0 : index
    %get3A_273 = arith.constant 0 : index
    %get3A_274 = vector.load %arg6[%get3A_272, %get3A_273] : memref<1x1xf32, #tpu.memory_space<vmem>>, vector<1x1xf32>
    %select_n3A_275 = arith.select %eq3A_269, %broadcast_in_dim3A_271, %get3A_274 : vector<1x1xf32>
    %add3A_276 = arith.addf %select_n3A_275, %broadcast_in_dim3A_267 : vector<1x1xf32>
    %eq3A_277 = arith.constant 15 : i32
    %eq3A_278 = arith.cmpi eq, %arg0, %eq3A_277 : i32
    %mul3A_279 = arith.constant 2.98023224E-7 : f32
    %mul3A_280 = vector.broadcast %mul3A_279 : f32 to vector<1x1xf32>
    %mul3A_281 = arith.mulf %add3A_276, %mul3A_280 : vector<1x1xf32>
    %select_n3A_282 = arith.select %eq3A_278, %mul3A_281, %add3A_276 : vector<1x1xf32>
    %swap3A_283 = arith.constant 0 : index
    %swap3A_284 = arith.constant 0 : index
    %swap3A_285 = vector.load %arg6[%swap3A_283, %swap3A_284] : memref<1x1xf32, #tpu.memory_space<vmem>>, vector<1x1xf32>
    tpu.vector_store %arg6[%swap3A_283, %swap3A_284], %select_n3A_282 {strides = array<i32>} : memref<1x1xf32, #tpu.memory_space<vmem>>, vector<1x1xf32>,
    return
  }
  func.func @transform_0(%arg0: i32) -> (i32, i32) {
    %c0_i32 = arith.constant 0 : i32
    %c0_i32_0 = arith.constant 0 : i32
    return %arg0, %c0_i32 : i32, i32
  }
  func.func @transform_1(%arg0: i32) -> (i32, i32) {
    %c0_i32 = arith.constant 0 : i32
    %c0_i32_0 = arith.constant 0 : i32
    return %arg0, %c0_i32 : i32, i32
  }
  func.func @transform_2(%arg0: i32) -> (i32, i32) {
    %c0_i32 = arith.constant 0 : i32
    %c0_i32_0 = arith.constant 0 : i32
    %c0_i32_1 = arith.constant 0 : i32
    return %c0_i32, %c0_i32_0 : i32, i32
  }
  func.func @transform_3(%arg0: i32) -> (i32, i32) {
    %c0_i32 = arith.constant 0 : i32
    %c0_i32_0 = arith.constant 0 : i32
    %c0_i32_1 = arith.constant 0 : i32
    return %c0_i32, %c0_i32_0 : i32, i32
  }
  func.func @transform_4(%arg0: i32) -> (i32, i32) {
    %c0_i32 = arith.constant 0 : i32
    %c0_i32_0 = arith.constant 0 : i32
    return %arg0, %c0_i32 : i32, i32
  }
  func.func @transform_5(%arg0: i32) -> (i32, i32) {
    %c0_i32 = arith.constant 0 : i32
    %c0_i32_0 = arith.constant 0 : i32
    %c0_i32_1 = arith.constant 0 : i32
    return %c0_i32, %c0_i32_0 : i32, i32
  }
}

module attributes {stable_mosaic.version = 14 : i64} {
  func.func @_perp_body(%arg0: memref<2x8192xf32, #tpu.memory_space<vmem>>, %arg1: memref<1x1xf32, #tpu.memory_space<vmem>>) attributes {dimension_semantics = [], scalar_prefetch = 0 : i64, scratch_operands = 0 : i64, tpu.core_type = #tpu.core_type<tc>} {
    %get3A = arith.constant 0 : index
    %get3A_0 = arith.constant 0 : index
    %get3A_1 = vector.load %arg0[%get3A, %get3A_0] : memref<2x8192xf32, #tpu.memory_space<vmem>>, vector<2x8192xf32>
    %reduce_sum3A = arith.constant dense<0.000000e+00> : vector<8192xf32>
    %reduce_sum3A_2 = vector.multi_reduction <add>, %get3A_1, %reduce_sum3A [0] : vector<2x8192xf32> to vector<8192xf32>
    %broadcast_in_dim3A = vector.shape_cast %reduce_sum3A_2 : vector<8192xf32> to vector<1x8192xf32>
    %mul3A = arith.constant 6.10351563E-5 : f32
    %mul3A_3 = vector.broadcast %mul3A : f32 to vector<1x8192xf32>
    %mul3A_4 = arith.mulf %broadcast_in_dim3A, %mul3A_3 : vector<1x8192xf32>
    %add3A = arith.constant 1.000000e-10 : f32
    %add3A_5 = vector.broadcast %add3A : f32 to vector<1x8192xf32>
    %add3A_6 = arith.addf %mul3A_4, %add3A_5 : vector<1x8192xf32>
    %log3A = math.log %add3A_6 : vector<1x8192xf32>
    %mul3A_7 = arith.mulf %mul3A_4, %log3A : vector<1x8192xf32>
    %reduce_sum3A_8 = arith.constant dense<0.000000e+00> : vector<1xf32>
    %reduce_sum3A_9 = vector.multi_reduction <add>, %mul3A_7, %reduce_sum3A_8 [1] : vector<1x8192xf32> to vector<1xf32>
    %broadcast_in_dim3A_10 = vector.shape_cast %reduce_sum3A_9 : vector<1xf32> to vector<1x1xf32>
    %neg3A = arith.constant 0.000000e+00 : f32
    %neg3A_11 = vector.broadcast %neg3A : f32 to vector<1x1xf32>
    %neg3A_12 = arith.subf %neg3A_11, %broadcast_in_dim3A_10 : vector<1x1xf32>
    %exp3A = math.exp %neg3A_12 : vector<1x1xf32>
    %swap3A = arith.constant 0 : index
    %swap3A_13 = arith.constant 0 : index
    %swap3A_14 = vector.load %arg1[%swap3A, %swap3A_13] : memref<1x1xf32, #tpu.memory_space<vmem>>, vector<1x1xf32>
    tpu.vector_store %arg1[%swap3A, %swap3A_13], %exp3A {strides = array<i32>} : memref<1x1xf32, #tpu.memory_space<vmem>>, vector<1x1xf32>,
    return
  }
}

</mosaic_0001>

<sc_bundles>
// kernel: kernel.5.cloned.1.call-start
scs
__scs_entry_jumppad:
0x0: {  	(pc) =	sbr.rel $0x88, $3  }
0x1: {  	(tag) =	ssettag $0x0;
	lr =	simm.s32 $0x1  }
0x2: {  	[smem:$0x3F9F] =	sst lr;
	_ =	strace $0xD0000000  }
0x3: {  	_ = 	snop  }
0x4: {  	_ = 	snop  }
0x5: {  	_ = 	snop  }
0x6: {  	_ = 	snop  }
0x7: {  	_ = 	snop  }
__scs_overlays_trampoline_lowered:
0x8: {  	[smem:$0x3FAE] =	sst s0  }
0x9: {  	[smem:$0x3FAF] =	sst s1  }
0xa: {  	[smem:$0x3FB0] =	sst s2  }
0xb: {  	[smem:$0x3FB1] =	sst s3  }
0xc: {  	[smem:$0x3FB2] =	sst s4  }
0xd: {  	[smem:$0x3FB3] =	sst s5  }
0xe: {  	[smem:$0x3FB4] =	sst s6  }
0xf: {  	[smem:$0x3FB5] =	sst s7  }
0x10: {  	[smem:$0x3FB6] =	sst s8  }
0x11: {  	[smem:$0x3FB7] =	sst s9;
	s0 =	simm.s32 @!p0 $0x0  }
0x12: {  	s1 =	sld [smem:$0x3F9D];
	s0 =	simm.s32 @p0 $0x1  }
0x13: {  	[smem:$0x3FB8] =	sst s0;
	s0 =	simm.s32 @!p1 $0x0  }
0x14: {  	s2 =	sld [smem:$0x3F9C];
	s0 =	simm.s32 @p1 $0x1  }
0x15: {  	[smem:$0x3FB9] =	sst s0;
	s0 =	simm.s32 @!p2 $0x0  }
0x16: {  	s3 =	sld [smem:$0x3FDB];
	s0 =	simm.s32 @p2 $0x1  }
0x17: {  	s4 =	simm.s32 $0x1BF5;
	[smem:$0x3FBB] =	sst s0  }
0x18: {  	s0 =	sld [smem:$0x3F9E];
	_ =	swait.ge [sflag:s4], $0x0  }
0x19: {  	s7 =	sld [smem:$0x3F9F]  }
0x1a: {  	s8 =	sadd.s32 $0xFFFFE003, lr  }
0x1b: {  	s9 =	sadd.s32 $0xFFFFFEF7, lr;
	s5 =	simm.s32 $0xFFFFFFFF;
	p2 =	slt.u32 s8, $0xFFFFF086  }
0x1c: {  	p1 =	slt.u32 s9, $0xF7A;
	s5 =	simm.s32 @!p2 $0x0  }
0x1d: {  	s5 =	simm.s32 @p1 $0x1;
	p0 =	seq.s32 s7, s2  }
0x1e: {  	s7 =	smul.u32 @!p0 $0xF7A, s2;
	p2 =	seq.s32 @!p0 s5, $0x0  }
0x1f: {  	s9 =	smul.u32 $0xF7A, s1;
	s8 =	simm.s32 @!p0 $0x1BF5;
	p2 =	por !p2, p0  }
0x20: {  	[sflag:s8] =	ssyncset.s32 @!p0 $0xFFFFF086;
	s6 =	sadd.s32 @!p0 s3, s7;
	s7 =	simm.s32 @!p0 $0x108  }
0x21: {  	s3 =	sadd.s32 s3, s9;
	s6 =	sadd.s32 @!p0 $0x88, s6;
	s7 =	simm.s32 @p2 $0x1082  }
0x22: {  	[simem:s7], [sflag:s8] =	dma.local @!p0 [hbm:s6], $0xF7A  }
0x23: {  	s9 =	sor.u32 $0xD0000000, s2;
	s6 =	simm.s32 $0x108;
	_ =	swait.ge @!p0 [sflag:s8], $0x0  }
0x24: {  	s3 =	sadd.s32 $0x88, s3;
	s6 =	simm.s32 @!p1 $0x1082;
	[sflag:s4] =	ssyncset.s32 $0xFFFFF086  }
0x25: {  	[simem:s6], [sflag:s4] =	dma.local [hbm:s3], $0xF7A  }
0x26: {  	[smem:$0x3F9F] =	sst s1;
	(tag) =	ssettag s2;
	_ =	strace s9  }
0x27: {  	s1 =	sld [smem:$0x3FAF]  }
0x28: {  	s2 =	sld [smem:$0x3FB0]  }
0x29: {  	s4 =	sld [smem:$0x3FB2]  }
0x2a: {  	p0 =	seq.s32 s5, $0x0;
	s5 =	sld [smem:$0x3FB3]  }
0x2b: {  	s6 =	sld [smem:$0x3FB4]  }
0x2c: {  	s7 =	sld [smem:$0x3FB5]  }
0x2d: {  	s3 =	simm.s32 $0x108;
	s8 =	sld [smem:$0x3FB6]  }
0x2e: {  	s3 =	simm.s32 @!p0 $0x1082;
	s9 =	sld [smem:$0x3FB7]  }
0x2f: {  	lr =	sadd.s32 s0, s3;
	s0 =	sld [smem:$0x3FAE]  }
0x30: {  	s3 =	sld [smem:$0x3FB1]  }
0x31: {  	[smem:$0x3FBA] =	sst s10  }
0x32: {  	s10 =	sld [smem:$0x3FB8];
	_ =	sdelay $0x3  }
0x33: {  	p0 =	seq.s32 s10, $0x1;
	s10 =	sld [smem:$0x3FBA];
	_ =	sdelay $0x3  }
0x34: {  	[smem:$0x3FBA] =	sst s10  }
0x35: {  	s10 =	sld [smem:$0x3FB9];
	_ =	sdelay $0x3  }
0x36: {  	p1 =	seq.s32 s10, $0x1;
	s10 =	sld [smem:$0x3FBA];
	_ =	sdelay $0x3  }
0x37: {  	[smem:$0x3FBA] =	sst s10  }
0x38: {  	s10 =	sld [smem:$0x3FBB]  }
0x39: {  	_ = 	snop;
	(pc) =	sbr.ind lr, $3  }
0x3a: {  	_ = 	snop  }
0x3b: {  	_ = 	snop  }
0x3c: {  	p2 =	seq.s32 s10, $0x1;
	s10 =	sld [smem:$0x3FBA]  }
0x3d: {  	_ =	shalt  }
0x3e: {  	_ =	shalt  }
0x3f: {  	_ =	shalt  }
0x40: {  	_ =	shalt  }
0x41: {  	_ =	shalt  }
0x42: {  	_ =	shalt  }
0x43: {  	_ =	shalt  }
0x44: {  	_ =	shalt  }
0x45: {  	_ =	shalt  }
0x46: {  	_ =	shalt  }
0x47: {  	_ =	shalt  }
0x48: {  	_ =	shalt  }
0x49: {  	_ =	shalt  }
0x4a: {  	_ =	shalt  }
0x4b: {  	_ =	shalt  }
0x4c: {  	_ =	shalt  }
0x4d: {  	_ =	shalt  }
0x4e: {  	_ =	shalt  }
0x4f: {  	_ =	shalt  }
0x50: {  	_ =	shalt  }
0x51: {  	_ =	shalt  }
0x52: {  	_ =	shalt  }
0x53: {  	_ =	shalt  }
0x54: {  	_ =	shalt  }
0x55: {  	_ =	shalt  }
0x56: {  	_ =	shalt  }
0x57: {  	_ =	shalt  }
0x58: {  	_ =	shalt  }
0x59: {  	_ =	shalt  }
0x5a: {  	_ =	shalt  }
0x5b: {  	_ =	shalt  }
0x5c: {  	_ =	shalt  }
0x5d: {  	_ =	shalt  }
0x5e: {  	_ =	shalt  }
0x5f: {  	_ =	shalt  }
0x60: {  	_ =	shalt  }
0x61: {  	_ =	shalt  }
0x62: {  	_ =	shalt  }
0x63: {  	_ =	shalt  }
0x64: {  	_ =	shalt  }
0x65: {  	_ =	shalt  }
0x66: {  	_ =	shalt  }
0x67: {  	_ =	shalt  }
0x68: {  	_ =	shalt  }
0x69: {  	_ =	shalt  }
0x6a: {  	_ =	shalt  }
0x6b: {  	_ =	shalt  }
0x6c: {  	_ =	shalt  }
0x6d: {  	_ =	shalt  }
0x6e: {  	_ =	shalt  }
0x6f: {  	_ =	shalt  }
0x70: {  	_ =	shalt  }
0x71: {  	_ =	shalt  }
0x72: {  	_ =	shalt  }
0x73: {  	_ =	shalt  }
0x74: {  	_ =	shalt  }
0x75: {  	_ =	shalt  }
0x76: {  	_ =	shalt  }
0x77: {  	_ =	shalt  }
0x78: {  	_ =	shalt  }
0x79: {  	_ =	shalt  }
0x7a: {  	_ =	shalt  }
0x7b: {  	_ =	shalt  }
0x7c: {  	_ =	shalt  }
0x7d: {  	_ =	shalt  }
0x7e: {  	_ =	shalt  }
0x7f: {  	_ =	shalt  }
0x80: {  	_ =	shalt  }
0x81: {  	_ =	shalt  }
0x82: {  	_ =	shalt  }
0x83: {  	_ =	shalt  }
0x84: {  	_ =	shalt  }
0x85: {  	_ =	shalt  }
0x86: {  	_ =	shalt  }
0x87: {  	_ =	shalt  }
.Lfunc_end0:
.L_simem_size_0:
called_computation_lowered:
.L_overlay_start_0:
0x88: {  	s2 =	sld [smem:$0x3FD9]  }
0x89: {  	s3 =	sld [smem:$0x3FFE];
	_ =	sdelay $0x1  }
0x8a: {  	s1 =	srdreg.scid  }
0x8b: {  	s0 =	sand.u32 $0x1, s1  }
0x8c: {  	s14 =	sshll.u32 s0, $0xA;
	s2 =	sadd.s32 s3, s2  }
0x8d: {  	s2 =	sadd.s32 s2, s14  }
0x8e: {  	[smem:$0x3FC6] =	sst s2  }
0x8f: {  	_ = 	snop  }
0x90: {  	s2 =	sld [smem:$0x3FD0];
	_ =	sdelay $0x2  }
0x91: {  	s4 =	simm.s32 $0xA;
	s5 =	simm.s32 $0x10;
	s15 =	sld [smem:$0x3FC8]  }
0x92: {  	[smem:s5], [sflag:s4] =	dma.local [hbm:s2], $0x1  }
0x93: {  	_ =	swait.eq [sflag:s4], $0x1  }
0x94: {  	[sflag:s4] =	ssyncset.done $0x0  }
0x95: {  	[sflag:s4] =	ssyncadd.s32 $0xFFFFFFFF  }
0x96: {  	s16 =	sld [smem:$0x10];
	(tm) =	ssettm $0x1  }
0x97: {  	s17 =	sld [smem:$0x3FFB];
	_ =	sdelay $0x3  }
0x98: {  	_ =	strace s17  }
0x99: {  	s4 =	sld [smem:$0x3FFC];
	_ =	sdelay $0x3  }
0x9a: {  	_ =	strace s4  }
0x9b: {  	s4 =	sld [smem:$0x3FFD];
	_ =	sdelay $0x3  }
0x9c: {  	_ =	strace s4  }
0x9d: {  	_ =	strace $0x8FFFFFFF  }
0x9e: {  	s18 =	sld [smem:$0x3FDB];
	_ =	sdelay $0x1  }
0x9f: {  	s19 =	simm.s32 $_scs_section_size  }
0xa0: {  	s6 =	simm.s32 $_size__tile_overlayer_lowered;
	s7 =	simm.s32 $_tile_overlayer_lowered  }
0xa1: {  	s22 =	simm.s32 $0x1BFF;
	s21 =	sshll.u32 s7, $0x1;
	s4 =	sadd.s32 s19, s18  }
0xa2: {  	s8 =	simm.s32 $0x0;
	s20 =	sshll.u32 s6, $0x1;
	s6 =	sadd.s32 s21, s4  }
0xa3: {  	[timem:s8], [sflag:s22] =	dma.local [hbm:s6], s20  }
0xa4: {  	_ =	swait.ge [sflag:s22], s20  }
0xa5: {  	s5 =	ssub.s32 $0x0, s20;
	[sflag:s22] =	ssyncset.done $0x0  }
0xa6: {  	[sflag:s22] =	ssyncadd.s32 s5;
	_ =	sdelay $0x1  }
0xa7: {  	s23 =	simm.s32 $0x1B8B  }
0xa8: {  	_ =	swait.ge [sflag:s23], $0x1  }
0xa9: {  	[sflag:s23] =	ssyncset.done $0x0  }
0xaa: {  	s25 =	simm.s32 $0x1B8E;
	s24 =	sld [smem:$0x3FFE];
	[sflag:s23] =	ssyncadd.s32 $0xFFFFFFFF  }
0xab: {  	s26 =	simm.s32 $execute0_lowered;
	[smem:$0x3FD2] =	sst s25  }
0xac: {  	s6 =	sshll.u32 s26, $0x1;
	_ =	strace $0x80000046;
	[dreg:$0x1] =	wrdreg $0xFFFFFFFF  }
0xad: {  	s28 =	simm.s32 $_size_execute0_lowered;
	s4 =	sadd.s32 s4, s6;
	[dreg:$0x0] =	wrdreg $0x0  }
0xae: {  	s6 =	sshll.u32 s28, $0x1;
	[dreg:$0x2] =	wrdreg s4  }
0xaf: {  	[dreg:$0x3] =	wrdreg s6  }
0xb0: {  	[dreg:$0x4] =	wrdreg $0xC0  }
0xb1: {  	_ =	task [dreg:s8], $0x5FFFF  }
0xb2: {  	[dreg:$0x1] =	wrdreg $0xFFFFFFFF  }
0xb3: {  	[dreg:$0x0] =	wrdreg $0x60  }
0xb4: {  	[dreg:$0x2] =	wrdreg s15  }
0xb5: {  	[dreg:$0x3] =	wrdreg s24  }
0xb6: {  	[dreg:$0x4] =	wrdreg s16  }
0xb7: {  	[dreg:$0x5] =	wrdreg $0x106000  }
0xb8: {  	[dreg:$0x6] =	wrdreg $0x9  }
0xb9: {  	_ =	task.clear_ibuf [dreg:s8], $0x7FFFF;
	_ =	strace $0x90000046  }
0xba: {  	s29 =	simm.s32 $0x9;
	_ =	strace $0x80000048  }
0xbb: {  	_ =	swait.ge [sflag:s29], $0x1  }
0xbc: {  	[sflag:s29] =	ssyncadd.s32 $0xFFFFFFFF  }
0xbd: {  	_ =	strace $0x90000048  }
0xbe: {  	_ =	sfence  }
0xbf: {  	s30 =	sld [smem:$0x0];
	_ =	sdelay $0x2  }
0xc0: {  	s31 =	sshll.u32 s1, $0xD;
	s1 =	sshrl.u32 s1, $0x2  }
0xc1: {  	s3 =	sand.u32 $0x4000, s31;
	s1 =	sadd.s32 s1, s30  }
0xc2: {  	s0 =	sor.u32 s3, s0;
	s1 =	sshll.u32 s1, $0x11  }
0xc3: {  	s0 =	sor.u32 s1, s0  }
0xc4: {  	s0 =	sadd.s32 $0x8F2B, s0  }
0xc5: {  	[sflag:s0] =	ssyncadd.remote.s32 $0x1  }
0xc6: {  	_ =	sfence.sel $0xFFFF  }
0xc7: {  	[dreg:$0x0] =	wrdreg $0xFFFFFFFF;
	(pc) =	sbr.abs _section_cstart, $3  }
0xc8: {  	[dreg:$0x1] =	wrdreg $0xFFFFFFFF  }
0xc9: {  	_ =	task.clear_ibuf [dreg:s8], $0x2FFFF;
	_ =	strace $0x9FFFFFFF  }
0xca: {  	(tm) =	ssettm $0x7FFFFFFF  }
0xcb: {  	_ =	shalt  }
tec
execute0_lowered:
.L_overlay_start_1:
0x0: {  	(tag) =	ssettag $0x1  }
0x1: {  	s1 =	rddreg [dreg:$0x0]  }
0x2: {  	s0 =	rddreg [dreg:$0x1]  }
0x3: {  	s2 =	rddreg [dreg:$0x2]  }
0x4: {  	s10 =	rddreg [dreg:$0x3]  }
0x5: {  	s3 =	simm.s32 $0x0;
	s4 =	srdreg.scid;
	s6 =	stileid.u32  }
0x6: {  	s11 =	simm.s32 $0x2;
	s20 =	simm.s32 $0x0;
	s19 =	simm.s32 $0x200  }
0x7: {  	s28 =	simm.s32 $0x3200;
	s29 =	simm.s32 $0x3A00;
	s30 =	simm.s32 $0x4200  }
0x8: {  	s31 =	simm.s32 $0x4A00;
	s13 =	simm.s32 $0x6200;
	s14 =	simm.s32 $0x8A00  }
0x9: {  	s15 =	simm.s32 $0x9A00;
	s16 =	simm.s32 $0xAA00;
	s17 =	simm.s32 $0xB200  }
0xa: {  	s18 =	simm.s32 $0xBA00;
	s12 =	simm.s32 $0xC200;
	[smem:$0x7FF] =	sst s3  }
0xb: {  	s4 =	sand.u32 $0x1, s4;
	s8 =	sshll.u32 s6, $0xA;
	s23 =	sshll.u32 s6, $0x9  }
0xc: {  	p0 =	sne.s32 s6, $0x0;
	s6 =	simm.s32 $0x7A00;
	_ =	strace $0x80000047  }
0xd: {  	s5 =	sshll.u32 s4, $0x4;
	s7 =	ssub.s32 $0x2, s4;
	s4 =	sshll.u32 s4, $0x9  }
0xe: {  	s9 =	sadd.s32 s5, s0;
	s22 =	sshrl.u32 s7, $0x1;
	s4 =	sor.u32 s4, s8  }
0xf: {  	s5 =	sadd.s32 s23, s10;
	s10 =	simm.s32 $0x5A00;
	s8 =	sshll.u32 s4, $0x5  }
0x10: {  	[dreg:$0x5] =	wrdreg s5;
	s4 =	sshrl.u32 s4, $0x3;
	s25 =	sadd.s32 $0x800, s9  }
0x11: {  	s7 =	ssub.s32 s7, s22;
	s0 =	sadd.s32 s0, s4;
	[dreg:$0x8] =	wrdreg s25  }
0x12: {  	s9 =	simm.s32 $0xA200;
	s2 =	sadd.s32 s2, s8;
	[dreg:$0x6] =	wrdreg s0  }
0x13: {  	v0 =	vimm.f32 $0.0e+00;
	v4 =	vlaneseq.u32;
	s26 =	smax.u32 s7, $0x1;
	s4 =	simm.s32 $0x7200;
	[dreg:$0x9] =	wrdreg s2  }
0x14: {  	v1 =	vimm.f32 $1.000000000e+00;
	vm0 =	vmmov $0xffff;
	v3 =	vshrl.u32 v4, $0x3;
	s7 =	simm.s32 $0x8200;
	s24 =	sadd.s32 $0x2000, s2;
	[dreg:$0xa] =	wrdreg s26  }
0x15: {  	v2 =	vand.u32 $0x7, v4;
	v4 =	vor.u32 $0x8, v4;
	v3 =	vmul.u32 $0x8, v3;
	s8 =	simm.s32 $0x9200;
	s26 =	simm.s32 $0x2A00;
	[dreg:$0x7] =	wrdreg s24  }
.LBB2_1:
0x16: {  	s21 =	simm.s32 $0x40;
	s22 =	simm.s32 $0x0  }
.LBB2_2:
0x17: {  	p1 =	sne.s32 s21, $0x7C0;
	[tilespmem:s22+$0x10400] =	vst v0;
	s23 =	smov.u32 s21;
	s21 =	sadd.s32 $0x40, s21  }
.Ltmp0:
0x18: {  	[tilespmem:s22+$0x10200] =	vst v1;
	(pc) =	sbr.rel @p1 .LBB2_2-.Ltmp0, $2  }
0x19: {  	_ =	sdelay $0x2  }
0x1a: {  	s22 =	sshra.s32 s23, $0x2  }
0x1b: {  	[tilespmem:s22+$0x10400] =	vst v0  }
0x1c: {  	[tilespmem:s22+$0x10200] =	vst v1;
	s21 =	rddreg [dreg:$0x5];
	s5 =	simm.s32 $0x10400  }
0x1d: {  	[spmem:s21] =	stream.linear.scatter [tilespmem:s5], [sflag:$0x2], $0x200, $0x38;
	[tilespmem:$0x10800] =	vst v63  }
0x1e: {  	_ =	swait.ge [sflag:s11], $0x200  }
0x1f: {  	[sflag:s11] =	ssyncset.done $0x0  }
0x20: {  	s25 =	rddreg [dreg:$0x6];
	[sflag:s11] =	ssyncadd.s32 $0xFFFFFE00  }
0x21: {  	[tilespmem:s3], [sflag:$0x2] =	stream.linear.gather [hbm4b:s25+s3], $0x200, $0x38;
	[tilespmem:$0x10800] =	vst v63  }
0x22: {  	_ =	swait.ge [sflag:s11], $0x200  }
0x23: {  	[sflag:s11] =	ssyncset.done $0x0  }
0x24: {  	[sflag:s11] =	ssyncadd.s32 $0xFFFFFE00  }
0x25: {  	[bflag:$0x0] =	sbarrier.arrive $0xFFFF  }
0x26: {  	s2 =	simm.s32 $0x10200;
	s0 =	rddreg [dreg:$0x3]  }
0x27: {  	[spmem:s0] =	stream.indirect.scatter.add.f32 [tilespmem:s2], [sflag:$0x2], $0x1, s3, s19, $0xb8;
	[tilespmem:$0x10800] =	vst v63  }
0x28: {  	_ =	swait.ge [sflag:s11], $0x200  }
0x29: {  	[sflag:s11] =	ssyncset.done $0x0  }
0x2a: {  	[sflag:s11] =	ssyncadd.s32 $0xFFFFFE00  }
0x2b: {  	v5 =	vld [tilespmem:$0x0];
	_ =	sdelay $0x4  }
0x2c: {  	v6 =	vshll.u32 v5, $0x1  }
0x2d: {  	v5 =	vand.u32 $0x7, v5;
	v6 =	vand.u32 $0xFFFFFFF0, v6  }
0x2e: {  	v5 =	vor.u32 v5, v6  }
0x2f: {  	v6 =	vperm.xlane v5, v2;
	_ =	sdelay $0x1  }
0x30: {  	v5 =	vperm.xlane v5, v4;
	v6 =	vadd.s32 v3, v6;
	_ =	sdelay $0x1  }
0x31: {  	v5 =	vadd.s32 v3, v5;
	_ =	sdelay $0x2  }
0x32: {  	[tilespmem:s19], [sflag:$0x1] =	stream.indirect_vreg.gather [hbm4b:s1+s3], $0x80, v6, vm0, $0xb8;
	[tilespmem:$0x10800] =	vst v63  }
0x33: {  	s22 =	simm.s32 $0xA00  }
0x34: {  	[tilespmem:s22], [sflag:$0x1] =	stream.indirect_vreg.gather [hbm4b:s1+s3], $0x80, v5, vm0, $0xb8;
	[tilespmem:$0x10800] =	vst v63  }
0x35: {  	v5 =	vld [tilespmem:$0x10];
	_ =	sdelay $0x4  }
0x36: {  	v6 =	vshll.u32 v5, $0x1  }
0x37: {  	v5 =	vand.u32 $0x7, v5;
	v6 =	vand.u32 $0xFFFFFFF0, v6  }
0x38: {  	v5 =	vor.u32 v5, v6  }
0x39: {  	v6 =	vperm.xlane v5, v2;
	_ =	sdelay $0x1  }
0x3a: {  	v5 =	vperm.xlane v5, v4;
	v6 =	vadd.s32 v3, v6;
	_ =	sdelay $0x1  }
0x3b: {  	v5 =	vadd.s32 v3, v5;
	_ =	sdelay $0x1  }
0x3c: {  	s23 =	simm.s32 $0x1200  }
0x3d: {  	[tilespmem:s23], [sflag:$0x1] =	stream.indirect_vreg.gather [hbm4b:s1+s3], $0x80, v6, vm0, $0xb8;
	[tilespmem:$0x10800] =	vst v63  }
0x3e: {  	s24 =	simm.s32 $0x1A00  }
0x3f: {  	[tilespmem:s24], [sflag:$0x1] =	stream.indirect_vreg.gather [hbm4b:s1+s3], $0x80, v5, vm0, $0xb8;
	[tilespmem:$0x10800] =	vst v63  }
0x40: {  	v5 =	vld [tilespmem:$0x20];
	_ =	sdelay $0x4  }
0x41: {  	v6 =	vshll.u32 v5, $0x1  }
0x42: {  	v5 =	vand.u32 $0x7, v5;
	v6 =	vand.u32 $0xFFFFFFF0, v6  }
0x43: {  	v5 =	vor.u32 v5, v6  }
0x44: {  	v6 =	vperm.xlane v5, v2;
	_ =	sdelay $0x1  }
0x45: {  	v5 =	vperm.xlane v5, v4;
	v6 =	vadd.s32 v3, v6;
	_ =	sdelay $0x1  }
0x46: {  	v5 =	vadd.s32 v3, v5;
	_ =	sdelay $0x1  }
0x47: {  	s25 =	simm.s32 $0x2200  }
0x48: {  	[tilespmem:s25], [sflag:$0x1] =	stream.indirect_vreg.gather [hbm4b:s1+s3], $0x80, v6, vm0, $0xb8;
	[tilespmem:$0x10800] =	vst v63  }
0x49: {  	_ = 	snop  }
0x4a: {  	[tilespmem:s26], [sflag:$0x1] =	stream.indirect_vreg.gather [hbm4b:s1+s3], $0x80, v5, vm0, $0xb8;
	[tilespmem:$0x10800] =	vst v63  }
0x4b: {  	v5 =	vld [tilespmem:$0x30];
	_ =	sdelay $0x4  }
0x4c: {  	v6 =	vshll.u32 v5, $0x1  }
0x4d: {  	v5 =	vand.u32 $0x7, v5;
	v6 =	vand.u32 $0xFFFFFFF0, v6  }
0x4e: {  	v5 =	vor.u32 v5, v6  }
0x4f: {  	v6 =	vperm.xlane v5, v2;
	_ =	sdelay $0x1  }
0x50: {  	v5 =	vperm.xlane v5, v4;
	v6 =	vadd.s32 v3, v6;
	_ =	sdelay $0x1  }
0x51: {  	v5 =	vadd.s32 v3, v5;
	_ =	sdelay $0x2  }
0x52: {  	[tilespmem:s28], [sflag:$0x1] =	stream.indirect_vreg.gather [hbm4b:s1+s3], $0x80, v6, vm0, $0xb8;
	[tilespmem:$0x10800] =	vst v63  }
0x53: {  	_ = 	snop  }
0x54: {  	[tilespmem:s29], [sflag:$0x1] =	stream.indirect_vreg.gather [hbm4b:s1+s3], $0x80, v5, vm0, $0xb8;
	[tilespmem:$0x10800] =	vst v63  }
0x55: {  	v5 =	vld [tilespmem:$0x40];
	_ =	sdelay $0x4  }
0x56: {  	v6 =	vshll.u32 v5, $0x1  }
0x57: {  	v5 =	vand.u32 $0x7, v5;
	v6 =	vand.u32 $0xFFFFFFF0, v6  }
0x58: {  	v5 =	vor.u32 v5, v6  }
0x59: {  	v6 =	vperm.xlane v5, v2;
	_ =	sdelay $0x1  }
0x5a: {  	v5 =	vperm.xlane v5, v4;
	v6 =	vadd.s32 v3, v6;
	_ =	sdelay $0x1  }
0x5b: {  	v5 =	vadd.s32 v3, v5;
	_ =	sdelay $0x2  }
0x5c: {  	[tilespmem:s30], [sflag:$0x1] =	stream.indirect_vreg.gather [hbm4b:s1+s3], $0x80, v6, vm0, $0xb8;
	[tilespmem:$0x10800] =	vst v63  }
0x5d: {  	_ = 	snop  }
0x5e: {  	[tilespmem:s31], [sflag:$0x1] =	stream.indirect_vreg.gather [hbm4b:s1+s3], $0x80, v5, vm0, $0xb8;
	[tilespmem:$0x10800] =	vst v63  }
0x5f: {  	v5 =	vld [tilespmem:$0x50];
	_ =	sdelay $0x4  }
0x60: {  	v6 =	vshll.u32 v5, $0x1  }
0x61: {  	v5 =	vand.u32 $0x7, v5;
	v6 =	vand.u32 $0xFFFFFFF0, v6  }
0x62: {  	v5 =	vor.u32 v5, v6  }
0x63: {  	v6 =	vperm.xlane v5, v2;
	_ =	sdelay $0x1  }
0x64: {  	v5 =	vperm.xlane v5, v4;
	v6 =	vadd.s32 v3, v6;
	_ =	sdelay $0x1  }
0x65: {  	v5 =	vadd.s32 v3, v5;
	_ =	sdelay $0x1  }
0x66: {  	s0 =	simm.s32 $0x5200  }
0x67: {  	[tilespmem:s0], [sflag:$0x1] =	stream.indirect_vreg.gather [hbm4b:s1+s3], $0x80, v6, vm0, $0xb8;
	[tilespmem:$0x10800] =	vst v63  }
0x68: {  	_ = 	snop  }
0x69: {  	[tilespmem:s10], [sflag:$0x1] =	stream.indirect_vreg.gather [hbm4b:s1+s3], $0x80, v5, vm0, $0xb8;
	[tilespmem:$0x10800] =	vst v63  }
0x6a: {  	v5 =	vld [tilespmem:$0x60];
	_ =	sdelay $0x4  }
0x6b: {  	v6 =	vshll.u32 v5, $0x1  }
0x6c: {  	v5 =	vand.u32 $0x7, v5;
	v6 =	vand.u32 $0xFFFFFFF0, v6  }
0x6d: {  	v5 =	vor.u32 v5, v6  }
0x6e: {  	v6 =	vperm.xlane v5, v2;
	_ =	sdelay $0x1  }
0x6f: {  	v5 =	vperm.xlane v5, v4;
	v6 =	vadd.s32 v3, v6;
	_ =	sdelay $0x1  }
0x70: {  	v5 =	vadd.s32 v3, v5;
	_ =	sdelay $0x2  }
0x71: {  	[tilespmem:s13], [sflag:$0x1] =	stream.indirect_vreg.gather [hbm4b:s1+s3], $0x80, v6, vm0, $0xb8;
	[tilespmem:$0x10800] =	vst v63  }
0x72: {  	s2 =	simm.s32 $0x6A00  }
0x73: {  	[tilespmem:s2], [sflag:$0x1] =	stream.indirect_vreg.gather [hbm4b:s1+s3], $0x80, v5, vm0, $0xb8;
	[tilespmem:$0x10800] =	vst v63  }
0x74: {  	v5 =	vld [tilespmem:$0x70];
	_ =	sdelay $0x4  }
0x75: {  	v6 =	vshll.u32 v5, $0x1  }
0x76: {  	v5 =	vand.u32 $0x7, v5;
	v6 =	vand.u32 $0xFFFFFFF0, v6  }
0x77: {  	v5 =	vor.u32 v5, v6  }
0x78: {  	v6 =	vperm.xlane v5, v2;
	_ =	sdelay $0x1  }
0x79: {  	v5 =	vperm.xlane v5, v4;
	v6 =	vadd.s32 v3, v6;
	_ =	sdelay $0x1  }
0x7a: {  	v5 =	vadd.s32 v3, v5;
	_ =	sdelay $0x2  }
0x7b: {  	[tilespmem:s4], [sflag:$0x1] =	stream.indirect_vreg.gather [hbm4b:s1+s3], $0x80, v6, vm0, $0xb8;
	[tilespmem:$0x10800] =	vst v63  }
0x7c: {  	_ = 	snop  }
0x7d: {  	[tilespmem:s6], [sflag:$0x1] =	stream.indirect_vreg.gather [hbm4b:s1+s3], $0x80, v5, vm0, $0xb8;
	[tilespmem:$0x10800] =	vst v63  }
0x7e: {  	v5 =	vld [tilespmem:$0x80];
	_ =	sdelay $0x4  }
0x7f: {  	v6 =	vshll.u32 v5, $0x1  }
0x80: {  	v5 =	vand.u32 $0x7, v5;
	v6 =	vand.u32 $0xFFFFFFF0, v6  }
0x81: {  	v5 =	vor.u32 v5, v6  }
0x82: {  	v6 =	vperm.xlane v5, v2;
	_ =	sdelay $0x1  }
0x83: {  	v5 =	vperm.xlane v5, v4;
	v6 =	vadd.s32 v3, v6;
	_ =	sdelay $0x1  }
0x84: {  	v5 =	vadd.s32 v3, v5;
	_ =	sdelay $0x2  }
0x85: {  	[tilespmem:s7], [sflag:$0x1] =	stream.indirect_vreg.gather [hbm4b:s1+s3], $0x80, v6, vm0, $0xb8;
	[tilespmem:$0x10800] =	vst v63  }
0x86: {  	_ = 	snop  }
0x87: {  	[tilespmem:s14], [sflag:$0x1] =	stream.indirect_vreg.gather [hbm4b:s1+s3], $0x80, v5, vm0, $0xb8;
	[tilespmem:$0x10800] =	vst v63  }
0x88: {  	v5 =	vld [tilespmem:$0x90];
	_ =	sdelay $0x4  }
0x89: {  	v6 =	vshll.u32 v5, $0x1  }
0x8a: {  	v5 =	vand.u32 $0x7, v5;
	v6 =	vand.u32 $0xFFFFFFF0, v6  }
0x8b: {  	v5 =	vor.u32 v5, v6  }
0x8c: {  	v6 =	vperm.xlane v5, v2;
	_ =	sdelay $0x1  }
0x8d: {  	v5 =	vperm.xlane v5, v4;
	v6 =	vadd.s32 v3, v6;
	_ =	sdelay $0x1  }
0x8e: {  	v5 =	vadd.s32 v3, v5;
	_ =	sdelay $0x2  }
0x8f: {  	[tilespmem:s8], [sflag:$0x1] =	stream.indirect_vreg.gather [hbm4b:s1+s3], $0x80, v6, vm0, $0xb8;
	[tilespmem:$0x10800] =	vst v63  }
0x90: {  	_ = 	snop  }
0x91: {  	[tilespmem:s15], [sflag:$0x1] =	stream.indirect_vreg.gather [hbm4b:s1+s3], $0x80, v5, vm0, $0xb8;
	[tilespmem:$0x10800] =	vst v63  }
0x92: {  	v5 =	vld [tilespmem:$0xA0];
	_ =	sdelay $0x4  }
0x93: {  	v6 =	vshll.u32 v5, $0x1  }
0x94: {  	v5 =	vand.u32 $0x7, v5;
	v6 =	vand.u32 $0xFFFFFFF0, v6  }
0x95: {  	v5 =	vor.u32 v5, v6  }
0x96: {  	v6 =	vperm.xlane v5, v2;
	_ =	sdelay $0x1  }
0x97: {  	v5 =	vperm.xlane v5, v4;
	v6 =	vadd.s32 v3, v6;
	_ =	sdelay $0x1  }
0x98: {  	v5 =	vadd.s32 v3, v5;
	_ =	sdelay $0x2  }
0x99: {  	[tilespmem:s9], [sflag:$0x1] =	stream.indirect_vreg.gather [hbm4b:s1+s3], $0x80, v6, vm0, $0xb8;
	[tilespmem:$0x10800] =	vst v63  }
0x9a: {  	_ = 	snop  }
0x9b: {  	[tilespmem:s16], [sflag:$0x1] =	stream.indirect_vreg.gather [hbm4b:s1+s3], $0x80, v5, vm0, $0xb8;
	[tilespmem:$0x10800] =	vst v63  }
0x9c: {  	v5 =	vld [tilespmem:$0xB0];
	_ =	sdelay $0x4  }
0x9d: {  	v6 =	vshll.u32 v5, $0x1  }
0x9e: {  	v5 =	vand.u32 $0x7, v5;
	v6 =	vand.u32 $0xFFFFFFF0, v6  }
0x9f: {  	v5 =	vor.u32 v5, v6  }
0xa0: {  	v6 =	vperm.xlane v5, v2;
	_ =	sdelay $0x1  }
0xa1: {  	v5 =	vperm.xlane v5, v4;
	v6 =	vadd.s32 v3, v6;
	_ =	sdelay $0x1  }
0xa2: {  	v5 =	vadd.s32 v3, v5;
	_ =	sdelay $0x2  }
0xa3: {  	[tilespmem:s17], [sflag:$0x1] =	stream.indirect_vreg.gather [hbm4b:s1+s3], $0x80, v6, vm0, $0xb8;
	[tilespmem:$0x10800] =	vst v63  }
0xa4: {  	_ = 	snop  }
0xa5: {  	[tilespmem:s18], [sflag:$0x1] =	stream.indirect_vreg.gather [hbm4b:s1+s3], $0x80, v5, vm0, $0xb8;
	[tilespmem:$0x10800] =	vst v63  }
0xa6: {  	v5 =	vld [tilespmem:$0xC0];
	_ =	sdelay $0x4  }
0xa7: {  	v6 =	vshll.u32 v5, $0x1  }
0xa8: {  	v5 =	vand.u32 $0x7, v5;
	v6 =	vand.u32 $0xFFFFFFF0, v6  }
0xa9: {  	v5 =	vor.u32 v5, v6  }
0xaa: {  	v6 =	vperm.xlane v5, v2;
	_ =	sdelay $0x1  }
0xab: {  	v5 =	vperm.xlane v5, v4;
	v6 =	vadd.s32 v3, v6;
	_ =	sdelay $0x1  }
0xac: {  	v5 =	vadd.s32 v3, v5;
	_ =	sdelay $0x2  }
0xad: {  	[tilespmem:s12], [sflag:$0x1] =	stream.indirect_vreg.gather [hbm4b:s1+s3], $0x80, v6, vm0, $0xb8;
	[tilespmem:$0x10800] =	vst v63  }
0xae: {  	s21 =	simm.s32 $0xCA00  }
0xaf: {  	[tilespmem:s21], [sflag:$0x1] =	stream.indirect_vreg.gather [hbm4b:s1+s3], $0x80, v5, vm0, $0xb8;
	[tilespmem:$0x10800] =	vst v63  }
0xb0: {  	v5 =	vld [tilespmem:$0xD0];
	_ =	sdelay $0x4  }
0xb1: {  	v6 =	vshll.u32 v5, $0x1  }
0xb2: {  	v5 =	vand.u32 $0x7, v5;
	v6 =	vand.u32 $0xFFFFFFF0, v6  }
0xb3: {  	v5 =	vor.u32 v5, v6  }
0xb4: {  	v6 =	vperm.xlane v5, v2;
	_ =	sdelay $0x1  }
0xb5: {  	v5 =	vperm.xlane v5, v4;
	v6 =	vadd.s32 v3, v6;
	_ =	sdelay $0x1  }
0xb6: {  	v5 =	vadd.s32 v3, v5;
	_ =	sdelay $0x1  }
0xb7: {  	s5 =	simm.s32 $0xD200  }
0xb8: {  	[tilespmem:s5], [sflag:$0x1] =	stream.indirect_vreg.gather [hbm4b:s1+s3], $0x80, v6, vm0, $0xb8;
	[tilespmem:$0x10800] =	vst v63  }
0xb9: {  	s5 =	simm.s32 $0xDA00  }
0xba: {  	[tilespmem:s5], [sflag:$0x1] =	stream.indirect_vreg.gather [hbm4b:s1+s3], $0x80, v5, vm0, $0xb8;
	[tilespmem:$0x10800] =	vst v63  }
0xbb: {  	v5 =	vld [tilespmem:$0xE0];
	_ =	sdelay $0x4  }
0xbc: {  	v6 =	vshll.u32 v5, $0x1  }
0xbd: {  	v5 =	vand.u32 $0x7, v5;
	v6 =	vand.u32 $0xFFFFFFF0, v6  }
0xbe: {  	v5 =	vor.u32 v5, v6  }
0xbf: {  	v6 =	vperm.xlane v5, v2;
	_ =	sdelay $0x1  }
0xc0: {  	v5 =	vperm.xlane v5, v4;
	v6 =	vadd.s32 v3, v6;
	_ =	sdelay $0x1  }
0xc1: {  	v5 =	vadd.s32 v3, v5;
	_ =	sdelay $0x1  }
0xc2: {  	s5 =	simm.s32 $0xE200  }
0xc3: {  	[tilespmem:s5], [sflag:$0x1] =	stream.indirect_vreg.gather [hbm4b:s1+s3], $0x80, v6, vm0, $0xb8;
	[tilespmem:$0x10800] =	vst v63  }
0xc4: {  	s5 =	simm.s32 $0xEA00  }
0xc5: {  	[tilespmem:s5], [sflag:$0x1] =	stream.indirect_vreg.gather [hbm4b:s1+s3], $0x80, v5, vm0, $0xb8;
	[tilespmem:$0x10800] =	vst v63  }
0xc6: {  	v5 =	vld [tilespmem:$0xF0];
	_ =	sdelay $0x4  }
0xc7: {  	v6 =	vshll.u32 v5, $0x1  }
0xc8: {  	v5 =	vand.u32 $0x7, v5;
	v6 =	vand.u32 $0xFFFFFFF0, v6  }
0xc9: {  	v5 =	vor.u32 v5, v6  }
0xca: {  	v6 =	vperm.xlane v5, v2;
	_ =	sdelay $0x1  }
0xcb: {  	v5 =	vperm.xlane v5, v4;
	v6 =	vadd.s32 v3, v6;
	_ =	sdelay $0x1  }
0xcc: {  	v5 =	vadd.s32 v3, v5;
	_ =	sdelay $0x1  }
0xcd: {  	s5 =	simm.s32 $0xF200  }
0xce: {  	[tilespmem:s5], [sflag:$0x1] =	stream.indirect_vreg.gather [hbm4b:s1+s3], $0x80, v6, vm0, $0xb8;
	[tilespmem:$0x10800] =	vst v63  }
0xcf: {  	s0 =	simm.s32 $0x1;
	s5 =	simm.s32 $0xFA00  }
0xd0: {  	[tilespmem:s5], [sflag:$0x1] =	stream.indirect_vreg.gather [hbm4b:s1+s3], $0x80, v5, vm0, $0xb8;
	[tilespmem:$0x10800] =	vst v63  }
0xd1: {  	_ =	swait.ge [sflag:s0], $0x10000  }
0xd2: {  	[sflag:s0] =	ssyncset.done $0x0  }
0xd3: {  	s5 =	rddreg [dreg:$0x9];
	[sflag:s0] =	ssyncadd.s32 $0xFFFF0000  }
0xd4: {  	[hbm4b:s5+s3] =	stream.linear.scatter [tilespmem:s19], [sflag:$0x2], $0x10000, $0x38;
	[tilespmem:$0x10800] =	vst v63  }
0xd5: {  	_ =	swait.ge [sflag:s11], $0x10000  }
0xd6: {  	[sflag:s11] =	ssyncset.done $0x0  }
0xd7: {  	[sflag:s11] =	ssyncadd.s32 $0xFFFF0000  }
0xd8: {  	v5 =	vld [tilespmem:$0x100];
	_ =	sdelay $0x4  }
0xd9: {  	v6 =	vshll.u32 v5, $0x1  }
0xda: {  	v5 =	vand.u32 $0x7, v5;
	v6 =	vand.u32 $0xFFFFFFF0, v6  }
0xdb: {  	v5 =	vor.u32 v5, v6  }
0xdc: {  	v6 =	vperm.xlane v5, v2;
	_ =	sdelay $0x1  }
0xdd: {  	v5 =	vperm.xlane v5, v4;
	v6 =	vadd.s32 v3, v6;
	_ =	sdelay $0x1  }
0xde: {  	v5 =	vadd.s32 v3, v5;
	_ =	sdelay $0x2  }
0xdf: {  	[tilespmem:s19], [sflag:$0x1] =	stream.indirect_vreg.gather [hbm4b:s1+s3], $0x80, v6, vm0, $0xb8;
	[tilespmem:$0x10800] =	vst v63  }
0xe0: {  	_ = 	snop  }
0xe1: {  	[tilespmem:s22], [sflag:$0x1] =	stream.indirect_vreg.gather [hbm4b:s1+s3], $0x80, v5, vm0, $0xb8;
	[tilespmem:$0x10800] =	vst v63  }
0xe2: {  	v5 =	vld [tilespmem:$0x110];
	_ =	sdelay $0x4  }
0xe3: {  	v6 =	vshll.u32 v5, $0x1  }
0xe4: {  	v5 =	vand.u32 $0x7, v5;
	v6 =	vand.u32 $0xFFFFFFF0, v6  }
0xe5: {  	v5 =	vor.u32 v5, v6  }
0xe6: {  	v6 =	vperm.xlane v5, v2;
	_ =	sdelay $0x1  }
0xe7: {  	v5 =	vperm.xlane v5, v4;
	v6 =	vadd.s32 v3, v6;
	_ =	sdelay $0x1  }
0xe8: {  	v5 =	vadd.s32 v3, v5;
	_ =	sdelay $0x2  }
0xe9: {  	[tilespmem:s23], [sflag:$0x1] =	stream.indirect_vreg.gather [hbm4b:s1+s3], $0x80, v6, vm0, $0xb8;
	[tilespmem:$0x10800] =	vst v63  }
0xea: {  	_ = 	snop  }
0xeb: {  	[tilespmem:s24], [sflag:$0x1] =	stream.indirect_vreg.gather [hbm4b:s1+s3], $0x80, v5, vm0, $0xb8;
	[tilespmem:$0x10800] =	vst v63  }
0xec: {  	v5 =	vld [tilespmem:$0x120];
	_ =	sdelay $0x4  }
0xed: {  	v6 =	vshll.u32 v5, $0x1  }
0xee: {  	v5 =	vand.u32 $0x7, v5;
	v6 =	vand.u32 $0xFFFFFFF0, v6  }
0xef: {  	v5 =	vor.u32 v5, v6  }
0xf0: {  	v6 =	vperm.xlane v5, v2;
	_ =	sdelay $0x1  }
0xf1: {  	v5 =	vperm.xlane v5, v4;
	v6 =	vadd.s32 v3, v6;
	_ =	sdelay $0x1  }
0xf2: {  	v5 =	vadd.s32 v3, v5;
	_ =	sdelay $0x2  }
0xf3: {  	[tilespmem:s25], [sflag:$0x1] =	stream.indirect_vreg.gather [hbm4b:s1+s3], $0x80, v6, vm0, $0xb8;
	[tilespmem:$0x10800] =	vst v63  }
0xf4: {  	_ = 	snop  }
0xf5: {  	[tilespmem:s26], [sflag:$0x1] =	stream.indirect_vreg.gather [hbm4b:s1+s3], $0x80, v5, vm0, $0xb8;
	[tilespmem:$0x10800] =	vst v63  }
0xf6: {  	v5 =	vld [tilespmem:$0x130];
	_ =	sdelay $0x4  }
0xf7: {  	v6 =	vshll.u32 v5, $0x1  }
0xf8: {  	v5 =	vand.u32 $0x7, v5;
	v6 =	vand.u32 $0xFFFFFFF0, v6  }
0xf9: {  	v5 =	vor.u32 v5, v6  }
0xfa: {  	v6 =	vperm.xlane v5, v2;
	_ =	sdelay $0x1  }
0xfb: {  	v5 =	vperm.xlane v5, v4;
	v6 =	vadd.s32 v3, v6;
	_ =	sdelay $0x1  }
0xfc: {  	v5 =	vadd.s32 v3, v5;
	_ =	sdelay $0x2  }
0xfd: {  	[tilespmem:s28], [sflag:$0x1] =	stream.indirect_vreg.gather [hbm4b:s1+s3], $0x80, v6, vm0, $0xb8;
	[tilespmem:$0x10800] =	vst v63  }
0xfe: {  	_ = 	snop  }
0xff: {  	[tilespmem:s29], [sflag:$0x1] =	stream.indirect_vreg.gather [hbm4b:s1+s3], $0x80, v5, vm0, $0xb8;
	[tilespmem:$0x10800] =	vst v63  }
0x100: {  	v5 =	vld [tilespmem:$0x140];
	_ =	sdelay $0x4  }
0x101: {  	v6 =	vshll.u32 v5, $0x1  }
0x102: {  	v5 =	vand.u32 $0x7, v5;
	v6 =	vand.u32 $0xFFFFFFF0, v6  }
0x103: {  	v5 =	vor.u32 v5, v6  }
0x104: {  	v6 =	vperm.xlane v5, v2;
	_ =	sdelay $0x1  }
0x105: {  	v5 =	vperm.xlane v5, v4;
	v6 =	vadd.s32 v3, v6;
	_ =	sdelay $0x1  }
0x106: {  	v5 =	vadd.s32 v3, v5;
	_ =	sdelay $0x2  }
0x107: {  	[tilespmem:s30], [sflag:$0x1] =	stream.indirect_vreg.gather [hbm4b:s1+s3], $0x80, v6, vm0, $0xb8;
	[tilespmem:$0x10800] =	vst v63  }
0x108: {  	_ = 	snop  }
0x109: {  	[tilespmem:s31], [sflag:$0x1] =	stream.indirect_vreg.gather [hbm4b:s1+s3], $0x80, v5, vm0, $0xb8;
	[tilespmem:$0x10800] =	vst v63  }
0x10a: {  	v5 =	vld [tilespmem:$0x150];
	_ =	sdelay $0x4  }
0x10b: {  	v6 =	vshll.u32 v5, $0x1  }
0x10c: {  	v5 =	vand.u32 $0x7, v5;
	v6 =	vand.u32 $0xFFFFFFF0, v6  }
0x10d: {  	v5 =	vor.u32 v5, v6  }
0x10e: {  	v6 =	vperm.xlane v5, v2;
	_ =	sdelay $0x1  }
0x10f: {  	v5 =	vperm.xlane v5, v4;
	v6 =	vadd.s32 v3, v6;
	_ =	sdelay $0x1  }
0x110: {  	v5 =	vadd.s32 v3, v5;
	_ =	sdelay $0x1  }
0x111: {  	s23 =	simm.s32 $0x5200  }
0x112: {  	[tilespmem:s23], [sflag:$0x1] =	stream.indirect_vreg.gather [hbm4b:s1+s3], $0x80, v6, vm0, $0xb8;
	[tilespmem:$0x10800] =	vst v63  }
0x113: {  	_ = 	snop  }
0x114: {  	[tilespmem:s10], [sflag:$0x1] =	stream.indirect_vreg.gather [hbm4b:s1+s3], $0x80, v5, vm0, $0xb8;
	[tilespmem:$0x10800] =	vst v63  }
0x115: {  	v5 =	vld [tilespmem:$0x160];
	_ =	sdelay $0x4  }
0x116: {  	v6 =	vshll.u32 v5, $0x1  }
0x117: {  	v5 =	vand.u32 $0x7, v5;
	v6 =	vand.u32 $0xFFFFFFF0, v6  }
0x118: {  	v5 =	vor.u32 v5, v6  }
0x119: {  	v6 =	vperm.xlane v5, v2;
	_ =	sdelay $0x1  }
0x11a: {  	v5 =	vperm.xlane v5, v4;
	v6 =	vadd.s32 v3, v6;
	_ =	sdelay $0x1  }
0x11b: {  	v5 =	vadd.s32 v3, v5;
	_ =	sdelay $0x2  }
0x11c: {  	[tilespmem:s13], [sflag:$0x1] =	stream.indirect_vreg.gather [hbm4b:s1+s3], $0x80, v6, vm0, $0xb8;
	[tilespmem:$0x10800] =	vst v63  }
0x11d: {  	_ = 	snop  }
0x11e: {  	[tilespmem:s2], [sflag:$0x1] =	stream.indirect_vreg.gather [hbm4b:s1+s3], $0x80, v5, vm0, $0xb8;
	[tilespmem:$0x10800] =	vst v63  }
0x11f: {  	v5 =	vld [tilespmem:$0x170];
	_ =	sdelay $0x4  }
0x120: {  	v6 =	vshll.u32 v5, $0x1  }
0x121: {  	v5 =	vand.u32 $0x7, v5;
	v6 =	vand.u32 $0xFFFFFFF0, v6  }
0x122: {  	v5 =	vor.u32 v5, v6  }
0x123: {  	v6 =	vperm.xlane v5, v2;
	_ =	sdelay $0x1  }
0x124: {  	v5 =	vperm.xlane v5, v4;
	v6 =	vadd.s32 v3, v6;
	_ =	sdelay $0x1  }
0x125: {  	v5 =	vadd.s32 v3, v5;
	_ =	sdelay $0x2  }
0x126: {  	[tilespmem:s4], [sflag:$0x1] =	stream.indirect_vreg.gather [hbm4b:s1+s3], $0x80, v6, vm0, $0xb8;
	[tilespmem:$0x10800] =	vst v63  }
0x127: {  	_ = 	snop  }
0x128: {  	[tilespmem:s6], [sflag:$0x1] =	stream.indirect_vreg.gather [hbm4b:s1+s3], $0x80, v5, vm0, $0xb8;
	[tilespmem:$0x10800] =	vst v63  }
0x129: {  	v5 =	vld [tilespmem:$0x180];
	_ =	sdelay $0x4  }
0x12a: {  	v6 =	vshll.u32 v5, $0x1  }
0x12b: {  	v5 =	vand.u32 $0x7, v5;
	v6 =	vand.u32 $0xFFFFFFF0, v6  }
0x12c: {  	v5 =	vor.u32 v5, v6  }
0x12d: {  	v6 =	vperm.xlane v5, v2;
	_ =	sdelay $0x1  }
0x12e: {  	v5 =	vperm.xlane v5, v4;
	v6 =	vadd.s32 v3, v6;
	_ =	sdelay $0x1  }
0x12f: {  	v5 =	vadd.s32 v3, v5;
	_ =	sdelay $0x2  }
0x130: {  	[tilespmem:s7], [sflag:$0x1] =	stream.indirect_vreg.gather [hbm4b:s1+s3], $0x80, v6, vm0, $0xb8;
	[tilespmem:$0x10800] =	vst v63  }
0x131: {  	_ = 	snop  }
0x132: {  	[tilespmem:s14], [sflag:$0x1] =	stream.indirect_vreg.gather [hbm4b:s1+s3], $0x80, v5, vm0, $0xb8;
	[tilespmem:$0x10800] =	vst v63  }
0x133: {  	v5 =	vld [tilespmem:$0x190];
	_ =	sdelay $0x4  }
0x134: {  	v6 =	vshll.u32 v5, $0x1  }
0x135: {  	v5 =	vand.u32 $0x7, v5;
	v6 =	vand.u32 $0xFFFFFFF0, v6  }
0x136: {  	v5 =	vor.u32 v5, v6  }
0x137: {  	v6 =	vperm.xlane v5, v2;
	_ =	sdelay $0x1  }
0x138: {  	v5 =	vperm.xlane v5, v4;
	v6 =	vadd.s32 v3, v6;
	_ =	sdelay $0x1  }
0x139: {  	v5 =	vadd.s32 v3, v5;
	_ =	sdelay $0x2  }
0x13a: {  	[tilespmem:s8], [sflag:$0x1] =	stream.indirect_vreg.gather [hbm4b:s1+s3], $0x80, v6, vm0, $0xb8;
	[tilespmem:$0x10800] =	vst v63  }
0x13b: {  	_ = 	snop  }
0x13c: {  	[tilespmem:s15], [sflag:$0x1] =	stream.indirect_vreg.gather [hbm4b:s1+s3], $0x80, v5, vm0, $0xb8;
	[tilespmem:$0x10800] =	vst v63  }
0x13d: {  	v5 =	vld [tilespmem:$0x1A0];
	_ =	sdelay $0x4  }
0x13e: {  	v6 =	vshll.u32 v5, $0x1  }
0x13f: {  	v5 =	vand.u32 $0x7, v5;
	v6 =	vand.u32 $0xFFFFFFF0, v6  }
0x140: {  	v5 =	vor.u32 v5, v6  }
0x141: {  	v6 =	vperm.xlane v5, v2;
	_ =	sdelay $0x1  }
0x142: {  	v5 =	vperm.xlane v5, v4;
	v6 =	vadd.s32 v3, v6;
	_ =	sdelay $0x1  }
0x143: {  	v5 =	vadd.s32 v3, v5;
	_ =	sdelay $0x2  }
0x144: {  	[tilespmem:s9], [sflag:$0x1] =	stream.indirect_vreg.gather [hbm4b:s1+s3], $0x80, v6, vm0, $0xb8;
	[tilespmem:$0x10800] =	vst v63  }
0x145: {  	_ = 	snop  }
0x146: {  	[tilespmem:s16], [sflag:$0x1] =	stream.indirect_vreg.gather [hbm4b:s1+s3], $0x80, v5, vm0, $0xb8;
	[tilespmem:$0x10800] =	vst v63  }
0x147: {  	v5 =	vld [tilespmem:$0x1B0];
	_ =	sdelay $0x4  }
0x148: {  	v6 =	vshll.u32 v5, $0x1  }
0x149: {  	v5 =	vand.u32 $0x7, v5;
	v6 =	vand.u32 $0xFFFFFFF0, v6  }
0x14a: {  	v5 =	vor.u32 v5, v6  }
0x14b: {  	v6 =	vperm.xlane v5, v2;
	_ =	sdelay $0x1  }
0x14c: {  	v5 =	vperm.xlane v5, v4;
	v6 =	vadd.s32 v3, v6;
	_ =	sdelay $0x1  }
0x14d: {  	v5 =	vadd.s32 v3, v5;
	_ =	sdelay $0x2  }
0x14e: {  	[tilespmem:s17], [sflag:$0x1] =	stream.indirect_vreg.gather [hbm4b:s1+s3], $0x80, v6, vm0, $0xb8;
	[tilespmem:$0x10800] =	vst v63  }
0x14f: {  	_ = 	snop  }
0x150: {  	[tilespmem:s18], [sflag:$0x1] =	stream.indirect_vreg.gather [hbm4b:s1+s3], $0x80, v5, vm0, $0xb8;
	[tilespmem:$0x10800] =	vst v63  }
0x151: {  	v5 =	vld [tilespmem:$0x1C0];
	_ =	sdelay $0x4  }
0x152: {  	v6 =	vshll.u32 v5, $0x1  }
0x153: {  	v5 =	vand.u32 $0x7, v5;
	v6 =	vand.u32 $0xFFFFFFF0, v6  }
0x154: {  	v5 =	vor.u32 v5, v6  }
0x155: {  	v6 =	vperm.xlane v5, v2;
	_ =	sdelay $0x1  }
0x156: {  	v5 =	vperm.xlane v5, v4;
	v6 =	vadd.s32 v3, v6;
	_ =	sdelay $0x1  }
0x157: {  	v5 =	vadd.s32 v3, v5;
	_ =	sdelay $0x2  }
0x158: {  	[tilespmem:s12], [sflag:$0x1] =	stream.indirect_vreg.gather [hbm4b:s1+s3], $0x80, v6, vm0, $0xb8;
	[tilespmem:$0x10800] =	vst v63  }
0x159: {  	_ = 	snop  }
0x15a: {  	[tilespmem:s21], [sflag:$0x1] =	stream.indirect_vreg.gather [hbm4b:s1+s3], $0x80, v5, vm0, $0xb8;
	[tilespmem:$0x10800] =	vst v63  }
0x15b: {  	v5 =	vld [tilespmem:$0x1D0];
	_ =	sdelay $0x4  }
0x15c: {  	v6 =	vshll.u32 v5, $0x1  }
0x15d: {  	v5 =	vand.u32 $0x7, v5;
	v6 =	vand.u32 $0xFFFFFFF0, v6  }
0x15e: {  	v5 =	vor.u32 v5, v6  }
0x15f: {  	v6 =	vperm.xlane v5, v2;
	_ =	sdelay $0x1  }
0x160: {  	v5 =	vperm.xlane v5, v4;
	v6 =	vadd.s32 v3, v6;
	_ =	sdelay $0x1  }
0x161: {  	v5 =	vadd.s32 v3, v5;
	_ =	sdelay $0x1  }
0x162: {  	s24 =	simm.s32 $0xD200  }
0x163: {  	[tilespmem:s24], [sflag:$0x1] =	stream.indirect_vreg.gather [hbm4b:s1+s3], $0x80, v6, vm0, $0xb8;
	[tilespmem:$0x10800] =	vst v63  }
0x164: {  	s25 =	simm.s32 $0xDA00  }
0x165: {  	[tilespmem:s25], [sflag:$0x1] =	stream.indirect_vreg.gather [hbm4b:s1+s3], $0x80, v5, vm0, $0xb8;
	[tilespmem:$0x10800] =	vst v63  }
0x166: {  	v5 =	vld [tilespmem:$0x1E0];
	_ =	sdelay $0x4  }
0x167: {  	v6 =	vshll.u32 v5, $0x1  }
0x168: {  	v5 =	vand.u32 $0x7, v5;
	v6 =	vand.u32 $0xFFFFFFF0, v6  }
0x169: {  	v5 =	vor.u32 v5, v6  }
0x16a: {  	v6 =	vperm.xlane v5, v2;
	_ =	sdelay $0x1  }
0x16b: {  	v5 =	vperm.xlane v5, v4;
	v6 =	vadd.s32 v3, v6;
	_ =	sdelay $0x1  }
0x16c: {  	v5 =	vadd.s32 v3, v5;
	_ =	sdelay $0x1  }
0x16d: {  	s5 =	simm.s32 $0xE200  }
0x16e: {  	[tilespmem:s5], [sflag:$0x1] =	stream.indirect_vreg.gather [hbm4b:s1+s3], $0x80, v6, vm0, $0xb8;
	[tilespmem:$0x10800] =	vst v63  }
0x16f: {  	s21 =	simm.s32 $0xEA00  }
0x170: {  	[tilespmem:s21], [sflag:$0x1] =	stream.indirect_vreg.gather [hbm4b:s1+s3], $0x80, v5, vm0, $0xb8;
	[tilespmem:$0x10800] =	vst v63  }
0x171: {  	v5 =	vld [tilespmem:$0x1F0];
	_ =	sdelay $0x4  }
0x172: {  	v6 =	vshll.u32 v5, $0x1  }
0x173: {  	v5 =	vand.u32 $0x7, v5;
	v6 =	vand.u32 $0xFFFFFFF0, v6  }
0x174: {  	v5 =	vor.u32 v5, v6  }
0x175: {  	v6 =	vperm.xlane v5, v2;
	_ =	sdelay $0x1  }
0x176: {  	v5 =	vperm.xlane v5, v4;
	v6 =	vadd.s32 v3, v6;
	_ =	sdelay $0x1  }
0x177: {  	v5 =	vadd.s32 v3, v5;
	_ =	sdelay $0x1  }
0x178: {  	s22 =	simm.s32 $0xF200  }
0x179: {  	[tilespmem:s22], [sflag:$0x1] =	stream.indirect_vreg.gather [hbm4b:s1+s3], $0x80, v6, vm0, $0xb8;
	[tilespmem:$0x10800] =	vst v63  }
0x17a: {  	s23 =	simm.s32 $0xFA00  }
0x17b: {  	[tilespmem:s23], [sflag:$0x1] =	stream.indirect_vreg.gather [hbm4b:s1+s3], $0x80, v5, vm0, $0xb8;
	[tilespmem:$0x10800] =	vst v63  }
0x17c: {  	_ =	swait.ge [sflag:s0], $0x10000  }
0x17d: {  	[sflag:s0] =	ssyncset.done $0x0  }
0x17e: {  	s24 =	rddreg [dreg:$0x7];
	[sflag:s0] =	ssyncadd.s32 $0xFFFF0000  }
0x17f: {  	[hbm4b:s24+s3] =	stream.linear.scatter [tilespmem:s19], [sflag:$0x2], $0x10000, $0x38;
	[tilespmem:$0x10800] =	vst v63  }
0x180: {  	_ =	swait.ge [sflag:s11], $0x10000  }
0x181: {  	[sflag:s11] =	ssyncset.done $0x0  }
0x182: {  	[sflag:s11] =	ssyncadd.s32 $0xFFFF0000  }
0x183: {  	s25 =	simm.s32 @!p0 $0x1C02;
	[bflag:$0x0] =	sbarrier.arrive $0xFFFF  }
0x184: {  	s22 =	simm.s32 @!p0 $0x1;
	s23 =	simm.s32 @!p0 $0x20;
	s0 =	rddreg [dreg:$0x3]  }
0x185: {  	s24 =	simm.s32 @!p0 $0x10;
	s5 =	rddreg [dreg:$0x8];
	s21 =	sshrl.u32 @!p0 s0, $0x3  }
0x186: {  	[hbm:s5@s23], [sflag:s25] =	dma.strided @!p0 [spmem:s21@s24], $0x400, s22, $0x10   }
0x187: {  	s21 =	simm.s32 @!p0 $0x2  }
0x188: {  	_ =	swait.ge @!p0 [sflag:s21], $0x400  }
0x189: {  	s20 =	sadd.s32 $0x1, s20;
	s25 =	rddreg [dreg:$0xa]  }
0x18a: {  	p1 =	sne.s32 s20, s25  }
.Ltmp1:
0x18b: {  	_ = 	snop;
	(pc) =	sbr.rel @p1 .LBB2_1-.Ltmp1, $3  }
0x18c: {  	_ =	sdelay $0x1  }
0x18d: {  	[sflag:s21] =	ssyncset.done @!p0 $0x0  }
0x18e: {  	[sflag:s21] =	ssyncadd.s32 @!p0 $0xFFFFFC00  }
0x18f: {  	_ =	sfence.sel $0x180000  }
0x190: {  	[bflag:$0x0] =	sbarrier.arrive $0xFFFF  }
0x191: {  	_ =	strace $0x90000047  }
0x192: {  	[bflag:$0x2] =	sbarrier.arrive $0xFFFF  }
0x193: {  	s0 =	rddreg [dreg:$0x4]  }
0x194: {  	s0 =	sadd.s32 @!p0 $0x100000, s0  }
0x195: {  	[sflag:s0] =	ssyncadd.tile.s32 @!p0 $0x1;
	_ =	shalt  }
.Lfunc_end2:
_tile_overlayer_lowered:
.L_overlay_start_2:
0x196: {  	(tag) =	ssettag $0x2  }
0x197: {  	s0 =	rddreg [dreg:$0x0];
	s2 =	stileid.u32  }
0x198: {  	s1 =	rddreg [dreg:$0x1];
	p0 =	sne.s32 s2, $0x0  }
0x199: {  	s3 =	rddreg [dreg:$0x2];
	[bflag:$0x3] =	sbarrier.arrive $0xFFFF;
	s2 =	simm.s32 @!p0 $0x1C02  }
0x19a: {  	[timem:s3], [sflag:s2] =	dma.local @!p0 [hbm:s0], s1  }
0x19b: {  	s0 =	simm.s32 @!p0 $0x2  }
0x19c: {  	_ =	swait.ge @!p0 [sflag:s0], s1  }
0x19d: {  	s1 =	ssub.s32 @!p0 $0x0, s1;
	[sflag:s0] =	ssyncset.done @!p0 $0x0  }
0x19e: {  	[sflag:s0] =	ssyncadd.s32 @!p0 s1  }
0x19f: {  	[bflag:$0x3] =	sbarrier.arrive $0xFFFF  }
0x1a0: {  	_ =	shalt  }

</sc_bundles>
